<compile_context>
chip_gen: v7x
topology: tpu7x:2x2x1
jax: 0.10.2.dev20260603
libtpu: 0.0.44.dev20260713+nightly
codegen_flags: <defaults>
</compile_context>

<pallas_src>
import functools

import jax
import jax.numpy as jnp
from jax import lax
from jax.experimental import pallas as pl
from jax.experimental.pallas import tpu as pltpu
from jax.experimental.pallas import tpu_sc as plsc

VOCAB = 1000000
EMBED_DIM = 16
NUM_CLASS = 2
BATCH = 16384
HIST = 200

NC = 2
NS = 16
NW = NC * NS

SUP = 1024
NSUP = VOCAB // SUP + 1
TAIL_START = (VOCAB // SUP) * SUP
L_PER_W = 31
XROWS = NSUP * 128

B_PER_W = BATCH // NW
GROUP = 16
N_GROUPS = B_PER_W // GROUP
N_PAIRS = N_GROUPS // 2
IDX_PER_GROUP = GROUP * HIST
GATHER_CHUNK = 128
N_GATHERS = IDX_PER_GROUP // GATHER_CHUNK


def _a_body(tt_hbm, tail_hbm, x_hbm, blk0_v, blk1_v, out0_v, out1_v,
            semi0, semi1, semo0, semo1):
    wid = lax.axis_index("s") * NC + lax.axis_index("c")
    blks = (blk0_v, blk1_v)
    outs = (out0_v, out1_v)
    semis = (semi0, semi1)
    semos = (semo0, semo1)
    lanes = jnp.arange(16, dtype=jnp.int32)
    row_pat = lanes >> 3
    col_pat = (lanes & 7) * 16

    def su_of(l):
        return wid + 32 * l

    def fire(l, b):
        su = su_of(l)

        @pl.when(su < NSUP - 1)
        def _():
            pltpu.async_copy(tt_hbm.at[:, pl.ds(su * SUP, SUP)], blks[b],
                             semis[b])

        @pl.when(su == NSUP - 1)
        def _():
            pltpu.async_copy(tail_hbm, blks[b], semis[b])

    def wait_in(b):
        pltpu.make_async_copy(tt_hbm.at[:, pl.ds(0, SUP)], blks[b],
                              semis[b]).wait()

    def wait_out(b):
        pltpu.make_async_copy(outs[b], x_hbm.at[pl.ds(0, 128), :],
                              semos[b]).wait()

    def compute(l, b):
        blk_v = blks[b]
        out_v = outs[b]

        @plsc.parallel_loop(0, SUP // 16, unroll=2)
        def chunk_body(c):
            rowv = row_pat + 2 * c
            for d in range(EMBED_DIM):
                v = blk_v[d, pl.ds(c * 16, 16)]
                plsc.store_scatter(out_v, [rowv, col_pat + d], v)

        su = su_of(l)
        pltpu.async_copy(out_v, x_hbm.at[pl.ds(su * 128, 128), :], semos[b])

    def valid(l):
        return su_of(l) < NSUP

    fire(0, 0)

    def pair_body(p, carry):
        l0 = 2 * p
        l1 = l0 + 1

        @pl.when(valid(l1))
        def _():
            fire(l1, 1)

        @pl.when(valid(l0))
        def _():
            wait_in(0)

            @pl.when(p > 0)
            def _():
                wait_out(0)

            compute(l0, 0)

        @pl.when(valid(l0 + 2))
        def _():
            fire(l0 + 2, 0)

        @pl.when(valid(l1))
        def _():
            wait_in(1)

            @pl.when(p > 0)
            def _():
                wait_out(1)

            compute(l1, 1)

        return carry

    lax.fori_loop(0, (L_PER_W + 1) // 2, pair_body, 0)
    wait_out(0)

    @pl.when(valid(1))
    def _():
        wait_out(1)


@jax.jit
def _detranspose(tt, tail):
    mesh = plsc.VectorSubcoreMesh(core_axis_name="c", subcore_axis_name="s")
    kern = functools.partial(
        pl.kernel,
        mesh=mesh,
        out_type=jax.ShapeDtypeStruct((XROWS, 128), jnp.float32),
        scratch_types=[
            pltpu.VMEM((16, SUP), jnp.float32),
            pltpu.VMEM((16, SUP), jnp.float32),
            pltpu.VMEM((128, 128), jnp.float32),
            pltpu.VMEM((128, 128), jnp.float32),
            pltpu.SemaphoreType.DMA,
            pltpu.SemaphoreType.DMA,
            pltpu.SemaphoreType.DMA,
            pltpu.SemaphoreType.DMA,
        ],
        compiler_params=pltpu.CompilerParams(needs_layout_passes=False,
                                             use_tc_tiling_on_sc=True),
    )(_a_body)
    return kern(tt, tail)


def _sc_body(text_hbm, table_hbm, wb_hbm, out_hbm, idx0_v, idx1_v, rows0_v,
             rows1_v, pooled_v, ocol0_v, ocol1_v, wb_v, sem0, sem1, semx0,
             semx1, semo):
    wid = lax.axis_index("s") * NC + lax.axis_index("c")
    row0 = wid * B_PER_W
    idx_bufs = (idx0_v, idx1_v)
    rows_bufs = (rows0_v, rows1_v)
    ocol_bufs = (ocol0_v, ocol1_v)
    sems = (sem0, sem1)
    semxs = (semx0, semx1)

    pltpu.sync_copy(wb_hbm, wb_v)

    def stage_idx(g, b):
        base = row0 + g * GROUP
        pltpu.async_copy(text_hbm.at[pl.ds(base * HIST, IDX_PER_GROUP)],
                         idx_bufs[b], semxs[b])

    def wait_idx(b):
        pltpu.make_async_copy(text_hbm.at[pl.ds(0, IDX_PER_GROUP)],
                              idx_bufs[b], semxs[b]).wait()

    def fire(b):
        for j in range(N_GATHERS):
            sl = pl.ds(j * GATHER_CHUNK, GATHER_CHUNK)
            pltpu.async_copy(table_hbm.at[idx_bufs[b].at[sl]],
                             rows_bufs[b].at[sl], sems[b])

    def drain(b):
        for j in range(N_GATHERS):
            sl = pl.ds(j * GATHER_CHUNK, GATHER_CHUNK)
            pltpu.make_async_copy(table_hbm.at[idx_bufs[b].at[sl]],
                                  rows_bufs[b].at[sl], sems[b]).wait()

    def pool_and_classify(g, b):
        rows_v = rows_bufs[b]
        for r in range(GROUP):
            def acc_body(l, accs):
                o = r * HIST + l * 8
                a0, a1, a2, a3 = accs
                a0 = a0 + rows_v[o + 0, :] + rows_v[o + 4, :]
                a1 = a1 + rows_v[o + 1, :] + rows_v[o + 5, :]
                a2 = a2 + rows_v[o + 2, :] + rows_v[o + 6, :]
                a3 = a3 + rows_v[o + 3, :] + rows_v[o + 7, :]
                return a0, a1, a2, a3

            z = jnp.zeros((16,), jnp.float32)
            a0, a1, a2, a3 = lax.fori_loop(0, HIST // 8, acc_body,
                                           (z, z, z, z), unroll=5)
            pooled_v[r, :] = (a0 + a1) + (a2 + a3)

        lanes = jnp.arange(16, dtype=jnp.int32)
        w0row = wb_v[0, :]
        w1row = wb_v[1, :]
        out0 = jnp.full((16,), wb_v[2, :][0], jnp.float32)
        out1 = jnp.full((16,), wb_v[3, :][0], jnp.float32)
        for d in range(EMBED_DIM):
            col = plsc.load_gather(
                pooled_v, [lanes, jnp.full((16,), d, jnp.int32)])
            out0 = out0 + col * w0row[d]
            out1 = out1 + col * w1row[d]
        ocol_v = ocol_bufs[b]
        ocol_v[0, :] = out0
        ocol_v[1, :] = out1
        base = row0 + g * GROUP
        pltpu.sync_copy(ocol_v.at[0], out_hbm.at[0, pl.ds(base, GROUP)])
        pltpu.sync_copy(ocol_v.at[1], out_hbm.at[1, pl.ds(base, GROUP)])

    stage_idx(0, 0)
    wait_idx(0)
    fire(0)
    stage_idx(1, 1)

    def pair_body(p, carry):
        g0 = p * 2
        wait_idx(1)
        fire(1)
        drain(0)

        @pl.when(p < N_PAIRS - 1)
        def _():
            stage_idx(g0 + 2, 0)

        pool_and_classify(g0, 0)

        @pl.when(p < N_PAIRS - 1)
        def _():
            wait_idx(0)
            fire(0)

        drain(1)

        @pl.when(p < N_PAIRS - 1)
        def _():
            stage_idx(g0 + 3, 1)

        pool_and_classify(g0 + 1, 1)
        return carry

    lax.fori_loop(0, N_PAIRS, pair_body, 0)


@jax.jit
def _classify(text_flat, table_lin, wb):
    mesh = plsc.VectorSubcoreMesh(core_axis_name="c", subcore_axis_name="s")
    kern = functools.partial(
        pl.kernel,
        mesh=mesh,
        out_type=jax.ShapeDtypeStruct((NUM_CLASS, BATCH), jnp.float32),
        scratch_types=[
            pltpu.VMEM((IDX_PER_GROUP,), jnp.int32),
            pltpu.VMEM((IDX_PER_GROUP,), jnp.int32),
            pltpu.VMEM((IDX_PER_GROUP, EMBED_DIM), jnp.float32),
            pltpu.VMEM((IDX_PER_GROUP, EMBED_DIM), jnp.float32),
            pltpu.VMEM((GROUP, EMBED_DIM), jnp.float32),
            pltpu.VMEM((NUM_CLASS, GROUP), jnp.float32),
            pltpu.VMEM((NUM_CLASS, GROUP), jnp.float32),
            pltpu.VMEM((4, 16), jnp.float32),
            pltpu.SemaphoreType.DMA,
            pltpu.SemaphoreType.DMA,
            pltpu.SemaphoreType.DMA,
            pltpu.SemaphoreType.DMA,
            pltpu.SemaphoreType.DMA,
        ],
        compiler_params=pltpu.CompilerParams(needs_layout_passes=False,
                                             use_tc_tiling_on_sc=False),
    )(_sc_body)
    return kern(text_flat, table_lin, wb)


def kernel(text, table, W, b):
    tt = jnp.transpose(table)
    tail = lax.slice(tt, (0, TAIL_START), (EMBED_DIM, VOCAB))
    tail = jnp.pad(tail, ((0, 0), (0, SUP - (VOCAB - TAIL_START))))
    x = _detranspose(tt, tail)
    table_lin = x.reshape(XROWS * 8, EMBED_DIM)
    wt = jnp.transpose(W) * (1.0 / HIST)
    bb = jnp.broadcast_to(b[:, None], (NUM_CLASS, 16))
    wb = jnp.concatenate([wt, bb], axis=0).astype(jnp.float32)
    out = _classify(text.reshape(-1), table_lin, wb)
    return jnp.transpose(out)

# --- scband reference (transcript-rebuilt; emitter-appended) ---
"""Pipeline reference for scband-text-classifier-13632226197807 (READ-ONLY COPY).

The authoritative reference and input builder live on the scoring server;
editing this copy changes nothing except your own understanding.
"""

import jax, jax.numpy as jnp
import numpy as np

VOCAB = 1000000
EMBED_DIM = 16
NUM_CLASS = 2
BATCH = 16384
HIST = 200

def setup_inputs(seed: int = 0) -> dict:
    key = jax.random.key(seed)
    k1, k2, k3, k4 = jax.random.split(key, 4)
    text = jax.random.randint(k1, (BATCH, HIST), 0, VOCAB, dtype=jnp.int64 if jax.config.jax_enable_x64 else jnp.int32).astype(jnp.int32)
    table = jax.random.normal(k2, (VOCAB, EMBED_DIM), dtype=jnp.float32)
    W = jax.random.normal(k3, (EMBED_DIM, NUM_CLASS), dtype=jnp.float32) * (1.0 / np.sqrt(EMBED_DIM))
    b = jax.random.normal(k4, (NUM_CLASS,), dtype=jnp.float32) * 0.01
    return {"text": text, "table": table, "W": W, "b": b}

def reference(text, table, W, b):
    # embedding lookup (gather)
    embedded = jnp.take(table, text, axis=0)          # [B, L, D]
    pooled = jnp.mean(embedded, axis=1)               # [B, D]
    out = pooled @ W + b                              # [B, num_class]
    return out

if __name__ == "__main__":
    import jax
    _d = setup_inputs()
    print(jax.jit(kernel)(*tuple(_d.values())))

</pallas_src>

<mosaic_0001>
#map = affine_map<(d0, d1) -> (0, 0)>
module attributes {stable_mosaic.version = 14 : i64} {
  func.func @_a_body(%arg0: i32, %arg1: i32, %arg2: memref<16x1000000xf32, #tpu.memory_space<hbm>>, %arg3: memref<16x1024xf32, #tpu.memory_space<hbm>>, %arg4: memref<125056x128xf32, #tpu.memory_space<hbm>>, %arg5: memref<16x1024xf32, #tpu.memory_space<vmem>>, %arg6: memref<16x1024xf32, #tpu.memory_space<vmem>>, %arg7: memref<128x128xf32, #tpu.memory_space<vmem>>, %arg8: memref<128x128xf32, #tpu.memory_space<vmem>>, %arg9: memref<!tpu.dma_semaphore, #tpu.memory_space<semaphore_mem>>, %arg10: memref<!tpu.dma_semaphore, #tpu.memory_space<semaphore_mem>>, %arg11: memref<!tpu.dma_semaphore, #tpu.memory_space<semaphore_mem>>, %arg12: memref<!tpu.dma_semaphore, #tpu.memory_space<semaphore_mem>>) attributes {dimension_semantics = [#tpu.dimension_semantics<core_parallel>, #tpu.dimension_semantics<subcore_parallel>], iteration_bounds = array<i64: 2, 16>, scalar_prefetch = 0 : i64, scratch_operands = 8 : i64, tpu.core_type = #tpu.core_type<sc_vector_subcore>, window_params = [{transform_indices = #map}, {transform_indices = #map}, {transform_indices = #map}]} {
    %mul3A = arith.constant 2 : i32
    %mul3A_0 = arith.muli %arg1, %mul3A : i32
    %add3A = arith.addi %mul3A_0, %arg0 : i32
    %iota3A = tpu.iota {dimensions = array<i32: 0>} : vector<16xi32>
    %shift_right_arithmetic3A = arith.constant 3 : i32
    %shift_right_arithmetic3A_1 = vector.broadcast %shift_right_arithmetic3A : i32 to vector<16xi32>
    %shift_right_arithmetic3A_2 = arith.shrsi %iota3A, %shift_right_arithmetic3A_1 : vector<16xi32>
    %and3A = arith.constant 7 : i32
    %and3A_3 = vector.broadcast %and3A : i32 to vector<16xi32>
    %and3A_4 = arith.andi %iota3A, %and3A_3 : vector<16xi32>
    %mul3A_5 = arith.constant 16 : i32
    %mul3A_6 = vector.broadcast %mul3A_5 : i32 to vector<16xi32>
    %mul3A_7 = arith.muli %and3A_4, %mul3A_6 : vector<16xi32>
    %add3A_8 = arith.constant 0 : i32
    %add3A_9 = arith.addi %add3A, %add3A_8 : i32
    %lt3A = arith.constant 976 : i32
    %lt3A_10 = arith.cmpi slt, %add3A_9, %lt3A : i32
    %convert_element_type3A = arith.extui %lt3A_10 : i1 to i32
    %cond3A = arith.constant 0 : i32
    %cond3A_11 = arith.cmpi ne, %convert_element_type3A, %cond3A : i32
    scf.if %cond3A_11 {
      %mul3A_33 = arith.constant 1024 : i32
      %mul3A_34 = arith.muli %add3A_9, %mul3A_33 : i32
      %dma_start3A = arith.constant 0 : i32
      %dma_start3A_35 = tpu.memref_slice %arg2[%dma_start3A, %mul3A_34] : memref<16x1000000xf32, #tpu.memory_space<hbm>> -> memref<16x1024xf32, #tpu.memory_space<hbm>>
      %dma_start3A_36 = arith.constant 0 : i32
      %dma_start3A_37 = tpu.memref_slice %arg2[%dma_start3A_36, %mul3A_34] : memref<16x1000000xf32, #tpu.memory_space<hbm>> -> memref<16x1024xf32, #tpu.memory_space<hbm>>
      tpu.enqueue_dma source(%dma_start3A_37 : memref<16x1024xf32, #tpu.memory_space<hbm>>) target(%arg5 : memref<16x1024xf32, #tpu.memory_space<vmem>>) target_semaphore(%arg9 : memref<!tpu.dma_semaphore, #tpu.memory_space<semaphore_mem>>)
    } else {
    }
    %eq3A = arith.constant 976 : i32
    %eq3A_12 = arith.cmpi eq, %add3A_9, %eq3A : i32
    %convert_element_type3A_13 = arith.extui %eq3A_12 : i1 to i32
    %cond3A_14 = arith.constant 0 : i32
    %cond3A_15 = arith.cmpi ne, %convert_element_type3A_13, %cond3A_14 : i32
    scf.if %cond3A_15 {
      tpu.enqueue_dma source(%arg3 : memref<16x1024xf32, #tpu.memory_space<hbm>>) target(%arg5 : memref<16x1024xf32, #tpu.memory_space<vmem>>) target_semaphore(%arg9 : memref<!tpu.dma_semaphore, #tpu.memory_space<semaphore_mem>>)
    } else {
    }
    %scan3A = arith.constant 0 : i32
    %scan3A_16 = arith.constant 0 : i32
    %scan3A_17 = arith.constant 16 : i32
    %scan3A_18 = arith.addi %scan3A_16, %scan3A_17 : i32
    %scan3A_19 = arith.constant 1 : i32
    scf.for %scan3A_33 = %scan3A_16 to %scan3A_18 step %scan3A_19  : i32 {
      %mul3A_34 = arith.constant 2 : i32
      %mul3A_35 = arith.muli %mul3A_34, %scan3A_33 : i32
      %add3A_36 = arith.constant 1 : i32
      %add3A_37 = arith.addi %mul3A_35, %add3A_36 : i32
      %mul3A_38 = arith.constant 32 : i32
      %mul3A_39 = arith.muli %mul3A_38, %add3A_37 : i32
      %add3A_40 = arith.addi %add3A, %mul3A_39 : i32
      %lt3A_41 = arith.constant 977 : i32
      %lt3A_42 = arith.cmpi slt, %add3A_40, %lt3A_41 : i32
      %convert_element_type3A_43 = arith.extui %lt3A_42 : i1 to i32
      %cond3A_44 = arith.constant 0 : i32
      %cond3A_45 = arith.cmpi ne, %convert_element_type3A_43, %cond3A_44 : i32
      scf.if %cond3A_45 {
        %mul3A_72 = arith.constant 32 : i32
        %mul3A_73 = arith.muli %mul3A_72, %add3A_37 : i32
        %add3A_74 = arith.addi %add3A, %mul3A_73 : i32
        %lt3A_75 = arith.constant 976 : i32
        %lt3A_76 = arith.cmpi slt, %add3A_74, %lt3A_75 : i32
        %convert_element_type3A_77 = arith.extui %lt3A_76 : i1 to i32
        %cond3A_78 = arith.constant 0 : i32
        %cond3A_79 = arith.cmpi ne, %convert_element_type3A_77, %cond3A_78 : i32
        scf.if %cond3A_79 {
          %mul3A_85 = arith.constant 1024 : i32
          %mul3A_86 = arith.muli %add3A_74, %mul3A_85 : i32
          %dma_start3A = arith.constant 0 : i32
          %dma_start3A_87 = tpu.memref_slice %arg2[%dma_start3A, %mul3A_86] : memref<16x1000000xf32, #tpu.memory_space<hbm>> -> memref<16x1024xf32, #tpu.memory_space<hbm>>
          %dma_start3A_88 = arith.constant 0 : i32
          %dma_start3A_89 = tpu.memref_slice %arg2[%dma_start3A_88, %mul3A_86] : memref<16x1000000xf32, #tpu.memory_space<hbm>> -> memref<16x1024xf32, #tpu.memory_space<hbm>>
          tpu.enqueue_dma source(%dma_start3A_89 : memref<16x1024xf32, #tpu.memory_space<hbm>>) target(%arg6 : memref<16x1024xf32, #tpu.memory_space<vmem>>) target_semaphore(%arg10 : memref<!tpu.dma_semaphore, #tpu.memory_space<semaphore_mem>>)
        } else {
        }
        %eq3A_80 = arith.constant 976 : i32
        %eq3A_81 = arith.cmpi eq, %add3A_74, %eq3A_80 : i32
        %convert_element_type3A_82 = arith.extui %eq3A_81 : i1 to i32
        %cond3A_83 = arith.constant 0 : i32
        %cond3A_84 = arith.cmpi ne, %convert_element_type3A_82, %cond3A_83 : i32
        scf.if %cond3A_84 {
          tpu.enqueue_dma source(%arg3 : memref<16x1024xf32, #tpu.memory_space<hbm>>) target(%arg6 : memref<16x1024xf32, #tpu.memory_space<vmem>>) target_semaphore(%arg10 : memref<!tpu.dma_semaphore, #tpu.memory_space<semaphore_mem>>)
        } else {
        }
      } else {
      }
      %mul3A_46 = arith.constant 32 : i32
      %mul3A_47 = arith.muli %mul3A_46, %mul3A_35 : i32
      %add3A_48 = arith.addi %add3A, %mul3A_47 : i32
      %lt3A_49 = arith.constant 977 : i32
      %lt3A_50 = arith.cmpi slt, %add3A_48, %lt3A_49 : i32
      %convert_element_type3A_51 = arith.extui %lt3A_50 : i1 to i32
      %cond3A_52 = arith.constant 0 : i32
      %cond3A_53 = arith.cmpi ne, %convert_element_type3A_51, %cond3A_52 : i32
      scf.if %cond3A_53 {
        %dma_wait3A_72 = arith.constant 0 : i32
        %dma_wait3A_73 = arith.constant 0 : i32
        %dma_wait3A_74 = tpu.memref_slice %arg2[%dma_wait3A_72, %dma_wait3A_73] : memref<16x1000000xf32, #tpu.memory_space<hbm>> -> memref<16x1024xf32, #tpu.memory_space<hbm>>
        %dma_wait3A_75 = arith.constant 0 : i32
        %dma_wait3A_76 = arith.constant 0 : i32
        %dma_wait3A_77 = tpu.memref_slice %arg2[%dma_wait3A_75, %dma_wait3A_76] : memref<16x1000000xf32, #tpu.memory_space<hbm>> -> memref<16x1024xf32, #tpu.memory_space<hbm>>
        tpu.wait_dma2 semaphore(%arg9 : memref<!tpu.dma_semaphore, #tpu.memory_space<semaphore_mem>>) src(%dma_wait3A_77 : memref<16x1024xf32, #tpu.memory_space<hbm>>) dst(%arg5 : memref<16x1024xf32, #tpu.memory_space<vmem>>)
        %gt3A = arith.constant 0 : i32
        %gt3A_78 = arith.cmpi sgt, %scan3A_33, %gt3A : i32
        %convert_element_type3A_79 = arith.extui %gt3A_78 : i1 to i32
        %cond3A_80 = arith.constant 0 : i32
        %cond3A_81 = arith.cmpi ne, %convert_element_type3A_79, %cond3A_80 : i32
        scf.if %cond3A_81 {
          %dma_wait3A_92 = arith.constant 0 : i32
          %dma_wait3A_93 = arith.constant 0 : i32
          %dma_wait3A_94 = tpu.memref_slice %arg4[%dma_wait3A_92, %dma_wait3A_93] : memref<125056x128xf32, #tpu.memory_space<hbm>> -> memref<128x128xf32, #tpu.memory_space<hbm>>
          %dma_wait3A_95 = arith.constant 0 : i32
          %dma_wait3A_96 = arith.constant 0 : i32
          %dma_wait3A_97 = tpu.memref_slice %arg4[%dma_wait3A_95, %dma_wait3A_96] : memref<125056x128xf32, #tpu.memory_space<hbm>> -> memref<128x128xf32, #tpu.memory_space<hbm>>
          tpu.wait_dma2 semaphore(%arg11 : memref<!tpu.dma_semaphore, #tpu.memory_space<semaphore_mem>>) src(%arg7 : memref<128x128xf32, #tpu.memory_space<vmem>>) dst(%dma_wait3A_97 : memref<128x128xf32, #tpu.memory_space<hbm>>)
        } else {
        }
        %parallel_loop3A = arith.constant 0 : i32
        %parallel_loop3A_82 = arith.constant 64 : i32
        %parallel_loop3A_83 = arith.constant 1 : i32
        scf.for %parallel_loop3A_92 = %parallel_loop3A to %parallel_loop3A_82 step %parallel_loop3A_83  : i32 {
          %parallel_loop3A_93 = arith.constant 2 : i32
          %parallel_loop3A_94 = arith.muli %parallel_loop3A_93, %parallel_loop3A_92 : i32
          %parallel_loop3A_95 = vector.broadcast %parallel_loop3A_94 : i32 to vector<16xi32>
          %parallel_loop3A_96 = arith.addi %shift_right_arithmetic3A_2, %parallel_loop3A_95 : vector<16xi32>
          %parallel_loop3A_97 = arith.constant 16 : i32
          %parallel_loop3A_98 = arith.muli %parallel_loop3A_92, %parallel_loop3A_97 : i32
          %parallel_loop3A_99 = arith.constant 0 : i32
          %parallel_loop3A_100 = arith.index_cast %parallel_loop3A_99 : i32 to index
          %parallel_loop3A_101 = arith.index_cast %parallel_loop3A_98 : i32 to index
          %parallel_loop3A_102 = tpu.vector_load %arg5[%parallel_loop3A_100, %parallel_loop3A_101] {strides = array<i32>} : memref<16x1024xf32, #tpu.memory_space<vmem>>, vector<16xf32>,
          %parallel_loop3A_103 = arith.constant 0 : i32
          %parallel_loop3A_104 = vector.broadcast %parallel_loop3A_103 : i32 to vector<16xi32>
          %parallel_loop3A_105 = arith.addi %mul3A_7, %parallel_loop3A_104 : vector<16xi32>
          tpu.vector_store_idx %arg7[%parallel_loop3A_96, %parallel_loop3A_105], %parallel_loop3A_102 : memref<128x128xf32, #tpu.memory_space<vmem>>[vector<16xi32>, vector<16xi32>], vector<16xf32>,
          %parallel_loop3A_106 = arith.constant 16 : i32
          %parallel_loop3A_107 = arith.muli %parallel_loop3A_92, %parallel_loop3A_106 : i32
          %parallel_loop3A_108 = arith.constant 1 : i32
          %parallel_loop3A_109 = arith.index_cast %parallel_loop3A_108 : i32 to index
          %parallel_loop3A_110 = arith.index_cast %parallel_loop3A_107 : i32 to index
          %parallel_loop3A_111 = tpu.vector_load %arg5[%parallel_loop3A_109, %parallel_loop3A_110] {strides = array<i32>} : memref<16x1024xf32, #tpu.memory_space<vmem>>, vector<16xf32>,
          %parallel_loop3A_112 = arith.constant 1 : i32
          %parallel_loop3A_113 = vector.broadcast %parallel_loop3A_112 : i32 to vector<16xi32>
          %parallel_loop3A_114 = arith.addi %mul3A_7, %parallel_loop3A_113 : vector<16xi32>
          tpu.vector_store_idx %arg7[%parallel_loop3A_96, %parallel_loop3A_114], %parallel_loop3A_111 : memref<128x128xf32, #tpu.memory_space<vmem>>[vector<16xi32>, vector<16xi32>], vector<16xf32>,
          %parallel_loop3A_115 = arith.constant 16 : i32
          %parallel_loop3A_116 = arith.muli %parallel_loop3A_92, %parallel_loop3A_115 : i32
          %parallel_loop3A_117 = arith.constant 2 : i32
          %parallel_loop3A_118 = arith.index_cast %parallel_loop3A_117 : i32 to index
          %parallel_loop3A_119 = arith.index_cast %parallel_loop3A_116 : i32 to index
          %parallel_loop3A_120 = tpu.vector_load %arg5[%parallel_loop3A_118, %parallel_loop3A_119] {strides = array<i32>} : memref<16x1024xf32, #tpu.memory_space<vmem>>, vector<16xf32>,
          %parallel_loop3A_121 = arith.constant 2 : i32
          %parallel_loop3A_122 = vector.broadcast %parallel_loop3A_121 : i32 to vector<16xi32>
          %parallel_loop3A_123 = arith.addi %mul3A_7, %parallel_loop3A_122 : vector<16xi32>
          tpu.vector_store_idx %arg7[%parallel_loop3A_96, %parallel_loop3A_123], %parallel_loop3A_120 : memref<128x128xf32, #tpu.memory_space<vmem>>[vector<16xi32>, vector<16xi32>], vector<16xf32>,
          %parallel_loop3A_124 = arith.constant 16 : i32
          %parallel_loop3A_125 = arith.muli %parallel_loop3A_92, %parallel_loop3A_124 : i32
          %parallel_loop3A_126 = arith.constant 3 : i32
          %parallel_loop3A_127 = arith.index_cast %parallel_loop3A_126 : i32 to index
          %parallel_loop3A_128 = arith.index_cast %parallel_loop3A_125 : i32 to index
          %parallel_loop3A_129 = tpu.vector_load %arg5[%parallel_loop3A_127, %parallel_loop3A_128] {strides = array<i32>} : memref<16x1024xf32, #tpu.memory_space<vmem>>, vector<16xf32>,
          %parallel_loop3A_130 = arith.constant 3 : i32
          %parallel_loop3A_131 = vector.broadcast %parallel_loop3A_130 : i32 to vector<16xi32>
          %parallel_loop3A_132 = arith.addi %mul3A_7, %parallel_loop3A_131 : vector<16xi32>
          tpu.vector_store_idx %arg7[%parallel_loop3A_96, %parallel_loop3A_132], %parallel_loop3A_129 : memref<128x128xf32, #tpu.memory_space<vmem>>[vector<16xi32>, vector<16xi32>], vector<16xf32>,
          %parallel_loop3A_133 = arith.constant 16 : i32
          %parallel_loop3A_134 = arith.muli %parallel_loop3A_92, %parallel_loop3A_133 : i32
          %parallel_loop3A_135 = arith.constant 4 : i32
          %parallel_loop3A_136 = arith.index_cast %parallel_loop3A_135 : i32 to index
          %parallel_loop3A_137 = arith.index_cast %parallel_loop3A_134 : i32 to index
          %parallel_loop3A_138 = tpu.vector_load %arg5[%parallel_loop3A_136, %parallel_loop3A_137] {strides = array<i32>} : memref<16x1024xf32, #tpu.memory_space<vmem>>, vector<16xf32>,
          %parallel_loop3A_139 = arith.constant 4 : i32
          %parallel_loop3A_140 = vector.broadcast %parallel_loop3A_139 : i32 to vector<16xi32>
          %parallel_loop3A_141 = arith.addi %mul3A_7, %parallel_loop3A_140 : vector<16xi32>
          tpu.vector_store_idx %arg7[%parallel_loop3A_96, %parallel_loop3A_141], %parallel_loop3A_138 : memref<128x128xf32, #tpu.memory_space<vmem>>[vector<16xi32>, vector<16xi32>], vector<16xf32>,
          %parallel_loop3A_142 = arith.constant 16 : i32
          %parallel_loop3A_143 = arith.muli %parallel_loop3A_92, %parallel_loop3A_142 : i32
          %parallel_loop3A_144 = arith.constant 5 : i32
          %parallel_loop3A_145 = arith.index_cast %parallel_loop3A_144 : i32 to index
          %parallel_loop3A_146 = arith.index_cast %parallel_loop3A_143 : i32 to index
          %parallel_loop3A_147 = tpu.vector_load %arg5[%parallel_loop3A_145, %parallel_loop3A_146] {strides = array<i32>} : memref<16x1024xf32, #tpu.memory_space<vmem>>, vector<16xf32>,
          %parallel_loop3A_148 = arith.constant 5 : i32
          %parallel_loop3A_149 = vector.broadcast %parallel_loop3A_148 : i32 to vector<16xi32>
          %parallel_loop3A_150 = arith.addi %mul3A_7, %parallel_loop3A_149 : vector<16xi32>
          tpu.vector_store_idx %arg7[%parallel_loop3A_96, %parallel_loop3A_150], %parallel_loop3A_147 : memref<128x128xf32, #tpu.memory_space<vmem>>[vector<16xi32>, vector<16xi32>], vector<16xf32>,
          %parallel_loop3A_151 = arith.constant 16 : i32
          %parallel_loop3A_152 = arith.muli %parallel_loop3A_92, %parallel_loop3A_151 : i32
          %parallel_loop3A_153 = arith.constant 6 : i32
          %parallel_loop3A_154 = arith.index_cast %parallel_loop3A_153 : i32 to index
          %parallel_loop3A_155 = arith.index_cast %parallel_loop3A_152 : i32 to index
          %parallel_loop3A_156 = tpu.vector_load %arg5[%parallel_loop3A_154, %parallel_loop3A_155] {strides = array<i32>} : memref<16x1024xf32, #tpu.memory_space<vmem>>, vector<16xf32>,
          %parallel_loop3A_157 = arith.constant 6 : i32
          %parallel_loop3A_158 = vector.broadcast %parallel_loop3A_157 : i32 to vector<16xi32>
          %parallel_loop3A_159 = arith.addi %mul3A_7, %parallel_loop3A_158 : vector<16xi32>
          tpu.vector_store_idx %arg7[%parallel_loop3A_96, %parallel_loop3A_159], %parallel_loop3A_156 : memref<128x128xf32, #tpu.memory_space<vmem>>[vector<16xi32>, vector<16xi32>], vector<16xf32>,
          %parallel_loop3A_160 = arith.constant 16 : i32
          %parallel_loop3A_161 = arith.muli %parallel_loop3A_92, %parallel_loop3A_160 : i32
          %parallel_loop3A_162 = arith.constant 7 : i32
          %parallel_loop3A_163 = arith.index_cast %parallel_loop3A_162 : i32 to index
          %parallel_loop3A_164 = arith.index_cast %parallel_loop3A_161 : i32 to index
          %parallel_loop3A_165 = tpu.vector_load %arg5[%parallel_loop3A_163, %parallel_loop3A_164] {strides = array<i32>} : memref<16x1024xf32, #tpu.memory_space<vmem>>, vector<16xf32>,
          %parallel_loop3A_166 = arith.constant 7 : i32
          %parallel_loop3A_167 = vector.broadcast %parallel_loop3A_166 : i32 to vector<16xi32>
          %parallel_loop3A_168 = arith.addi %mul3A_7, %parallel_loop3A_167 : vector<16xi32>
          tpu.vector_store_idx %arg7[%parallel_loop3A_96, %parallel_loop3A_168], %parallel_loop3A_165 : memref<128x128xf32, #tpu.memory_space<vmem>>[vector<16xi32>, vector<16xi32>], vector<16xf32>,
          %parallel_loop3A_169 = arith.constant 16 : i32
          %parallel_loop3A_170 = arith.muli %parallel_loop3A_92, %parallel_loop3A_169 : i32
          %parallel_loop3A_171 = arith.constant 8 : i32
          %parallel_loop3A_172 = arith.index_cast %parallel_loop3A_171 : i32 to index
          %parallel_loop3A_173 = arith.index_cast %parallel_loop3A_170 : i32 to index
          %parallel_loop3A_174 = tpu.vector_load %arg5[%parallel_loop3A_172, %parallel_loop3A_173] {strides = array<i32>} : memref<16x1024xf32, #tpu.memory_space<vmem>>, vector<16xf32>,
          %parallel_loop3A_175 = arith.constant 8 : i32
          %parallel_loop3A_176 = vector.broadcast %parallel_loop3A_175 : i32 to vector<16xi32>
          %parallel_loop3A_177 = arith.addi %mul3A_7, %parallel_loop3A_176 : vector<16xi32>
          tpu.vector_store_idx %arg7[%parallel_loop3A_96, %parallel_loop3A_177], %parallel_loop3A_174 : memref<128x128xf32, #tpu.memory_space<vmem>>[vector<16xi32>, vector<16xi32>], vector<16xf32>,
          %parallel_loop3A_178 = arith.constant 16 : i32
          %parallel_loop3A_179 = arith.muli %parallel_loop3A_92, %parallel_loop3A_178 : i32
          %parallel_loop3A_180 = arith.constant 9 : i32
          %parallel_loop3A_181 = arith.index_cast %parallel_loop3A_180 : i32 to index
          %parallel_loop3A_182 = arith.index_cast %parallel_loop3A_179 : i32 to index
          %parallel_loop3A_183 = tpu.vector_load %arg5[%parallel_loop3A_181, %parallel_loop3A_182] {strides = array<i32>} : memref<16x1024xf32, #tpu.memory_space<vmem>>, vector<16xf32>,
          %parallel_loop3A_184 = arith.constant 9 : i32
          %parallel_loop3A_185 = vector.broadcast %parallel_loop3A_184 : i32 to vector<16xi32>
          %parallel_loop3A_186 = arith.addi %mul3A_7, %parallel_loop3A_185 : vector<16xi32>
          tpu.vector_store_idx %arg7[%parallel_loop3A_96, %parallel_loop3A_186], %parallel_loop3A_183 : memref<128x128xf32, #tpu.memory_space<vmem>>[vector<16xi32>, vector<16xi32>], vector<16xf32>,
          %parallel_loop3A_187 = arith.constant 16 : i32
          %parallel_loop3A_188 = arith.muli %parallel_loop3A_92, %parallel_loop3A_187 : i32
          %parallel_loop3A_189 = arith.constant 10 : i32
          %parallel_loop3A_190 = arith.index_cast %parallel_loop3A_189 : i32 to index
          %parallel_loop3A_191 = arith.index_cast %parallel_loop3A_188 : i32 to index
          %parallel_loop3A_192 = tpu.vector_load %arg5[%parallel_loop3A_190, %parallel_loop3A_191] {strides = array<i32>} : memref<16x1024xf32, #tpu.memory_space<vmem>>, vector<16xf32>,
          %parallel_loop3A_193 = arith.constant 10 : i32
          %parallel_loop3A_194 = vector.broadcast %parallel_loop3A_193 : i32 to vector<16xi32>
          %parallel_loop3A_195 = arith.addi %mul3A_7, %parallel_loop3A_194 : vector<16xi32>
          tpu.vector_store_idx %arg7[%parallel_loop3A_96, %parallel_loop3A_195], %parallel_loop3A_192 : memref<128x128xf32, #tpu.memory_space<vmem>>[vector<16xi32>, vector<16xi32>], vector<16xf32>,
          %parallel_loop3A_196 = arith.constant 16 : i32
          %parallel_loop3A_197 = arith.muli %parallel_loop3A_92, %parallel_loop3A_196 : i32
          %parallel_loop3A_198 = arith.constant 11 : i32
          %parallel_loop3A_199 = arith.index_cast %parallel_loop3A_198 : i32 to index
          %parallel_loop3A_200 = arith.index_cast %parallel_loop3A_197 : i32 to index
          %parallel_loop3A_201 = tpu.vector_load %arg5[%parallel_loop3A_199, %parallel_loop3A_200] {strides = array<i32>} : memref<16x1024xf32, #tpu.memory_space<vmem>>, vector<16xf32>,
          %parallel_loop3A_202 = arith.constant 11 : i32
          %parallel_loop3A_203 = vector.broadcast %parallel_loop3A_202 : i32 to vector<16xi32>
          %parallel_loop3A_204 = arith.addi %mul3A_7, %parallel_loop3A_203 : vector<16xi32>
          tpu.vector_store_idx %arg7[%parallel_loop3A_96, %parallel_loop3A_204], %parallel_loop3A_201 : memref<128x128xf32, #tpu.memory_space<vmem>>[vector<16xi32>, vector<16xi32>], vector<16xf32>,
          %parallel_loop3A_205 = arith.constant 16 : i32
          %parallel_loop3A_206 = arith.muli %parallel_loop3A_92, %parallel_loop3A_205 : i32
          %parallel_loop3A_207 = arith.constant 12 : i32
          %parallel_loop3A_208 = arith.index_cast %parallel_loop3A_207 : i32 to index
          %parallel_loop3A_209 = arith.index_cast %parallel_loop3A_206 : i32 to index
          %parallel_loop3A_210 = tpu.vector_load %arg5[%parallel_loop3A_208, %parallel_loop3A_209] {strides = array<i32>} : memref<16x1024xf32, #tpu.memory_space<vmem>>, vector<16xf32>,
          %parallel_loop3A_211 = arith.constant 12 : i32
          %parallel_loop3A_212 = vector.broadcast %parallel_loop3A_211 : i32 to vector<16xi32>
          %parallel_loop3A_213 = arith.addi %mul3A_7, %parallel_loop3A_212 : vector<16xi32>
          tpu.vector_store_idx %arg7[%parallel_loop3A_96, %parallel_loop3A_213], %parallel_loop3A_210 : memref<128x128xf32, #tpu.memory_space<vmem>>[vector<16xi32>, vector<16xi32>], vector<16xf32>,
          %parallel_loop3A_214 = arith.constant 16 : i32
          %parallel_loop3A_215 = arith.muli %parallel_loop3A_92, %parallel_loop3A_214 : i32
          %parallel_loop3A_216 = arith.constant 13 : i32
          %parallel_loop3A_217 = arith.index_cast %parallel_loop3A_216 : i32 to index
          %parallel_loop3A_218 = arith.index_cast %parallel_loop3A_215 : i32 to index
          %parallel_loop3A_219 = tpu.vector_load %arg5[%parallel_loop3A_217, %parallel_loop3A_218] {strides = array<i32>} : memref<16x1024xf32, #tpu.memory_space<vmem>>, vector<16xf32>,
          %parallel_loop3A_220 = arith.constant 13 : i32
          %parallel_loop3A_221 = vector.broadcast %parallel_loop3A_220 : i32 to vector<16xi32>
          %parallel_loop3A_222 = arith.addi %mul3A_7, %parallel_loop3A_221 : vector<16xi32>
          tpu.vector_store_idx %arg7[%parallel_loop3A_96, %parallel_loop3A_222], %parallel_loop3A_219 : memref<128x128xf32, #tpu.memory_space<vmem>>[vector<16xi32>, vector<16xi32>], vector<16xf32>,
          %parallel_loop3A_223 = arith.constant 16 : i32
          %parallel_loop3A_224 = arith.muli %parallel_loop3A_92, %parallel_loop3A_223 : i32
          %parallel_loop3A_225 = arith.constant 14 : i32
          %parallel_loop3A_226 = arith.index_cast %parallel_loop3A_225 : i32 to index
          %parallel_loop3A_227 = arith.index_cast %parallel_loop3A_224 : i32 to index
          %parallel_loop3A_228 = tpu.vector_load %arg5[%parallel_loop3A_226, %parallel_loop3A_227] {strides = array<i32>} : memref<16x1024xf32, #tpu.memory_space<vmem>>, vector<16xf32>,
          %parallel_loop3A_229 = arith.constant 14 : i32
          %parallel_loop3A_230 = vector.broadcast %parallel_loop3A_229 : i32 to vector<16xi32>
          %parallel_loop3A_231 = arith.addi %mul3A_7, %parallel_loop3A_230 : vector<16xi32>
          tpu.vector_store_idx %arg7[%parallel_loop3A_96, %parallel_loop3A_231], %parallel_loop3A_228 : memref<128x128xf32, #tpu.memory_space<vmem>>[vector<16xi32>, vector<16xi32>], vector<16xf32>,
          %parallel_loop3A_232 = arith.constant 16 : i32
          %parallel_loop3A_233 = arith.muli %parallel_loop3A_92, %parallel_loop3A_232 : i32
          %parallel_loop3A_234 = arith.constant 15 : i32
          %parallel_loop3A_235 = arith.index_cast %parallel_loop3A_234 : i32 to index
          %parallel_loop3A_236 = arith.index_cast %parallel_loop3A_233 : i32 to index
          %parallel_loop3A_237 = tpu.vector_load %arg5[%parallel_loop3A_235, %parallel_loop3A_236] {strides = array<i32>} : memref<16x1024xf32, #tpu.memory_space<vmem>>, vector<16xf32>,
          %parallel_loop3A_238 = arith.constant 15 : i32
          %parallel_loop3A_239 = vector.broadcast %parallel_loop3A_238 : i32 to vector<16xi32>
          %parallel_loop3A_240 = arith.addi %mul3A_7, %parallel_loop3A_239 : vector<16xi32>
          tpu.vector_store_idx %arg7[%parallel_loop3A_96, %parallel_loop3A_240], %parallel_loop3A_237 : memref<128x128xf32, #tpu.memory_space<vmem>>[vector<16xi32>, vector<16xi32>], vector<16xf32>,
        } {sc.loop_unroll_factor = 2 : i64, sc.parallel_access}
        %mul3A_84 = arith.constant 32 : i32
        %mul3A_85 = arith.muli %mul3A_84, %mul3A_35 : i32
        %add3A_86 = arith.addi %add3A, %mul3A_85 : i32
        %mul3A_87 = arith.constant 128 : i32
        %mul3A_88 = arith.muli %add3A_86, %mul3A_87 : i32
        %dma_start3A = arith.constant 0 : i32
        %dma_start3A_89 = tpu.memref_slice %arg4[%mul3A_88, %dma_start3A] : memref<125056x128xf32, #tpu.memory_space<hbm>> -> memref<128x128xf32, #tpu.memory_space<hbm>>
        %dma_start3A_90 = arith.constant 0 : i32
        %dma_start3A_91 = tpu.memref_slice %arg4[%mul3A_88, %dma_start3A_90] : memref<125056x128xf32, #tpu.memory_space<hbm>> -> memref<128x128xf32, #tpu.memory_space<hbm>>
        tpu.enqueue_dma source(%arg7 : memref<128x128xf32, #tpu.memory_space<vmem>>) target(%dma_start3A_91 : memref<128x128xf32, #tpu.memory_space<hbm>>) target_semaphore(%arg11 : memref<!tpu.dma_semaphore, #tpu.memory_space<semaphore_mem>>)
      } else {
      }
      %add3A_54 = arith.constant 2 : i32
      %add3A_55 = arith.addi %mul3A_35, %add3A_54 : i32
      %mul3A_56 = arith.constant 32 : i32
      %mul3A_57 = arith.muli %mul3A_56, %add3A_55 : i32
      %add3A_58 = arith.addi %add3A, %mul3A_57 : i32
      %lt3A_59 = arith.constant 977 : i32
      %lt3A_60 = arith.cmpi slt, %add3A_58, %lt3A_59 : i32
      %convert_element_type3A_61 = arith.extui %lt3A_60 : i1 to i32
      %cond3A_62 = arith.constant 0 : i32
      %cond3A_63 = arith.cmpi ne, %convert_element_type3A_61, %cond3A_62 : i32
      scf.if %cond3A_63 {
        %add3A_72 = arith.constant 2 : i32
        %add3A_73 = arith.addi %mul3A_35, %add3A_72 : i32
        %mul3A_74 = arith.constant 32 : i32
        %mul3A_75 = arith.muli %mul3A_74, %add3A_73 : i32
        %add3A_76 = arith.addi %add3A, %mul3A_75 : i32
        %lt3A_77 = arith.constant 976 : i32
        %lt3A_78 = arith.cmpi slt, %add3A_76, %lt3A_77 : i32
        %convert_element_type3A_79 = arith.extui %lt3A_78 : i1 to i32
        %cond3A_80 = arith.constant 0 : i32
        %cond3A_81 = arith.cmpi ne, %convert_element_type3A_79, %cond3A_80 : i32
        scf.if %cond3A_81 {
          %mul3A_87 = arith.constant 1024 : i32
          %mul3A_88 = arith.muli %add3A_76, %mul3A_87 : i32
          %dma_start3A = arith.constant 0 : i32
          %dma_start3A_89 = tpu.memref_slice %arg2[%dma_start3A, %mul3A_88] : memref<16x1000000xf32, #tpu.memory_space<hbm>> -> memref<16x1024xf32, #tpu.memory_space<hbm>>
          %dma_start3A_90 = arith.constant 0 : i32
          %dma_start3A_91 = tpu.memref_slice %arg2[%dma_start3A_90, %mul3A_88] : memref<16x1000000xf32, #tpu.memory_space<hbm>> -> memref<16x1024xf32, #tpu.memory_space<hbm>>
          tpu.enqueue_dma source(%dma_start3A_91 : memref<16x1024xf32, #tpu.memory_space<hbm>>) target(%arg5 : memref<16x1024xf32, #tpu.memory_space<vmem>>) target_semaphore(%arg9 : memref<!tpu.dma_semaphore, #tpu.memory_space<semaphore_mem>>)
        } else {
        }
        %eq3A_82 = arith.constant 976 : i32
        %eq3A_83 = arith.cmpi eq, %add3A_76, %eq3A_82 : i32
        %convert_element_type3A_84 = arith.extui %eq3A_83 : i1 to i32
        %cond3A_85 = arith.constant 0 : i32
        %cond3A_86 = arith.cmpi ne, %convert_element_type3A_84, %cond3A_85 : i32
        scf.if %cond3A_86 {
          tpu.enqueue_dma source(%arg3 : memref<16x1024xf32, #tpu.memory_space<hbm>>) target(%arg5 : memref<16x1024xf32, #tpu.memory_space<vmem>>) target_semaphore(%arg9 : memref<!tpu.dma_semaphore, #tpu.memory_space<semaphore_mem>>)
        } else {
        }
      } else {
      }
      %mul3A_64 = arith.constant 32 : i32
      %mul3A_65 = arith.muli %mul3A_64, %add3A_37 : i32
      %add3A_66 = arith.addi %add3A, %mul3A_65 : i32
      %lt3A_67 = arith.constant 977 : i32
      %lt3A_68 = arith.cmpi slt, %add3A_66, %lt3A_67 : i32
      %convert_element_type3A_69 = arith.extui %lt3A_68 : i1 to i32
      %cond3A_70 = arith.constant 0 : i32
      %cond3A_71 = arith.cmpi ne, %convert_element_type3A_69, %cond3A_70 : i32
      scf.if %cond3A_71 {
        %dma_wait3A_72 = arith.constant 0 : i32
        %dma_wait3A_73 = arith.constant 0 : i32
        %dma_wait3A_74 = tpu.memref_slice %arg2[%dma_wait3A_72, %dma_wait3A_73] : memref<16x1000000xf32, #tpu.memory_space<hbm>> -> memref<16x1024xf32, #tpu.memory_space<hbm>>
        %dma_wait3A_75 = arith.constant 0 : i32
        %dma_wait3A_76 = arith.constant 0 : i32
        %dma_wait3A_77 = tpu.memref_slice %arg2[%dma_wait3A_75, %dma_wait3A_76] : memref<16x1000000xf32, #tpu.memory_space<hbm>> -> memref<16x1024xf32, #tpu.memory_space<hbm>>
        tpu.wait_dma2 semaphore(%arg10 : memref<!tpu.dma_semaphore, #tpu.memory_space<semaphore_mem>>) src(%dma_wait3A_77 : memref<16x1024xf32, #tpu.memory_space<hbm>>) dst(%arg6 : memref<16x1024xf32, #tpu.memory_space<vmem>>)
        %gt3A = arith.constant 0 : i32
        %gt3A_78 = arith.cmpi sgt, %scan3A_33, %gt3A : i32
        %convert_element_type3A_79 = arith.extui %gt3A_78 : i1 to i32
        %cond3A_80 = arith.constant 0 : i32
        %cond3A_81 = arith.cmpi ne, %convert_element_type3A_79, %cond3A_80 : i32
        scf.if %cond3A_81 {
          %dma_wait3A_92 = arith.constant 0 : i32
          %dma_wait3A_93 = arith.constant 0 : i32
          %dma_wait3A_94 = tpu.memref_slice %arg4[%dma_wait3A_92, %dma_wait3A_93] : memref<125056x128xf32, #tpu.memory_space<hbm>> -> memref<128x128xf32, #tpu.memory_space<hbm>>
          %dma_wait3A_95 = arith.constant 0 : i32
          %dma_wait3A_96 = arith.constant 0 : i32
          %dma_wait3A_97 = tpu.memref_slice %arg4[%dma_wait3A_95, %dma_wait3A_96] : memref<125056x128xf32, #tpu.memory_space<hbm>> -> memref<128x128xf32, #tpu.memory_space<hbm>>
          tpu.wait_dma2 semaphore(%arg12 : memref<!tpu.dma_semaphore, #tpu.memory_space<semaphore_mem>>) src(%arg8 : memref<128x128xf32, #tpu.memory_space<vmem>>) dst(%dma_wait3A_97 : memref<128x128xf32, #tpu.memory_space<hbm>>)
        } else {
        }
        %parallel_loop3A = arith.constant 0 : i32
        %parallel_loop3A_82 = arith.constant 64 : i32
        %parallel_loop3A_83 = arith.constant 1 : i32
        scf.for %parallel_loop3A_92 = %parallel_loop3A to %parallel_loop3A_82 step %parallel_loop3A_83  : i32 {
          %parallel_loop3A_93 = arith.constant 2 : i32
          %parallel_loop3A_94 = arith.muli %parallel_loop3A_93, %parallel_loop3A_92 : i32
          %parallel_loop3A_95 = vector.broadcast %parallel_loop3A_94 : i32 to vector<16xi32>
          %parallel_loop3A_96 = arith.addi %shift_right_arithmetic3A_2, %parallel_loop3A_95 : vector<16xi32>
          %parallel_loop3A_97 = arith.constant 16 : i32
          %parallel_loop3A_98 = arith.muli %parallel_loop3A_92, %parallel_loop3A_97 : i32
          %parallel_loop3A_99 = arith.constant 0 : i32
          %parallel_loop3A_100 = arith.index_cast %parallel_loop3A_99 : i32 to index
          %parallel_loop3A_101 = arith.index_cast %parallel_loop3A_98 : i32 to index
          %parallel_loop3A_102 = tpu.vector_load %arg6[%parallel_loop3A_100, %parallel_loop3A_101] {strides = array<i32>} : memref<16x1024xf32, #tpu.memory_space<vmem>>, vector<16xf32>,
          %parallel_loop3A_103 = arith.constant 0 : i32
          %parallel_loop3A_104 = vector.broadcast %parallel_loop3A_103 : i32 to vector<16xi32>
          %parallel_loop3A_105 = arith.addi %mul3A_7, %parallel_loop3A_104 : vector<16xi32>
          tpu.vector_store_idx %arg8[%parallel_loop3A_96, %parallel_loop3A_105], %parallel_loop3A_102 : memref<128x128xf32, #tpu.memory_space<vmem>>[vector<16xi32>, vector<16xi32>], vector<16xf32>,
          %parallel_loop3A_106 = arith.constant 16 : i32
          %parallel_loop3A_107 = arith.muli %parallel_loop3A_92, %parallel_loop3A_106 : i32
          %parallel_loop3A_108 = arith.constant 1 : i32
          %parallel_loop3A_109 = arith.index_cast %parallel_loop3A_108 : i32 to index
          %parallel_loop3A_110 = arith.index_cast %parallel_loop3A_107 : i32 to index
          %parallel_loop3A_111 = tpu.vector_load %arg6[%parallel_loop3A_109, %parallel_loop3A_110] {strides = array<i32>} : memref<16x1024xf32, #tpu.memory_space<vmem>>, vector<16xf32>,
          %parallel_loop3A_112 = arith.constant 1 : i32
          %parallel_loop3A_113 = vector.broadcast %parallel_loop3A_112 : i32 to vector<16xi32>
          %parallel_loop3A_114 = arith.addi %mul3A_7, %parallel_loop3A_113 : vector<16xi32>
          tpu.vector_store_idx %arg8[%parallel_loop3A_96, %parallel_loop3A_114], %parallel_loop3A_111 : memref<128x128xf32, #tpu.memory_space<vmem>>[vector<16xi32>, vector<16xi32>], vector<16xf32>,
          %parallel_loop3A_115 = arith.constant 16 : i32
          %parallel_loop3A_116 = arith.muli %parallel_loop3A_92, %parallel_loop3A_115 : i32
          %parallel_loop3A_117 = arith.constant 2 : i32
          %parallel_loop3A_118 = arith.index_cast %parallel_loop3A_117 : i32 to index
          %parallel_loop3A_119 = arith.index_cast %parallel_loop3A_116 : i32 to index
          %parallel_loop3A_120 = tpu.vector_load %arg6[%parallel_loop3A_118, %parallel_loop3A_119] {strides = array<i32>} : memref<16x1024xf32, #tpu.memory_space<vmem>>, vector<16xf32>,
          %parallel_loop3A_121 = arith.constant 2 : i32
          %parallel_loop3A_122 = vector.broadcast %parallel_loop3A_121 : i32 to vector<16xi32>
          %parallel_loop3A_123 = arith.addi %mul3A_7, %parallel_loop3A_122 : vector<16xi32>
          tpu.vector_store_idx %arg8[%parallel_loop3A_96, %parallel_loop3A_123], %parallel_loop3A_120 : memref<128x128xf32, #tpu.memory_space<vmem>>[vector<16xi32>, vector<16xi32>], vector<16xf32>,
          %parallel_loop3A_124 = arith.constant 16 : i32
          %parallel_loop3A_125 = arith.muli %parallel_loop3A_92, %parallel_loop3A_124 : i32
          %parallel_loop3A_126 = arith.constant 3 : i32
          %parallel_loop3A_127 = arith.index_cast %parallel_loop3A_126 : i32 to index
          %parallel_loop3A_128 = arith.index_cast %parallel_loop3A_125 : i32 to index
          %parallel_loop3A_129 = tpu.vector_load %arg6[%parallel_loop3A_127, %parallel_loop3A_128] {strides = array<i32>} : memref<16x1024xf32, #tpu.memory_space<vmem>>, vector<16xf32>,
          %parallel_loop3A_130 = arith.constant 3 : i32
          %parallel_loop3A_131 = vector.broadcast %parallel_loop3A_130 : i32 to vector<16xi32>
          %parallel_loop3A_132 = arith.addi %mul3A_7, %parallel_loop3A_131 : vector<16xi32>
          tpu.vector_store_idx %arg8[%parallel_loop3A_96, %parallel_loop3A_132], %parallel_loop3A_129 : memref<128x128xf32, #tpu.memory_space<vmem>>[vector<16xi32>, vector<16xi32>], vector<16xf32>,
          %parallel_loop3A_133 = arith.constant 16 : i32
          %parallel_loop3A_134 = arith.muli %parallel_loop3A_92, %parallel_loop3A_133 : i32
          %parallel_loop3A_135 = arith.constant 4 : i32
          %parallel_loop3A_136 = arith.index_cast %parallel_loop3A_135 : i32 to index
          %parallel_loop3A_137 = arith.index_cast %parallel_loop3A_134 : i32 to index
          %parallel_loop3A_138 = tpu.vector_load %arg6[%parallel_loop3A_136, %parallel_loop3A_137] {strides = array<i32>} : memref<16x1024xf32, #tpu.memory_space<vmem>>, vector<16xf32>,
          %parallel_loop3A_139 = arith.constant 4 : i32
          %parallel_loop3A_140 = vector.broadcast %parallel_loop3A_139 : i32 to vector<16xi32>
          %parallel_loop3A_141 = arith.addi %mul3A_7, %parallel_loop3A_140 : vector<16xi32>
          tpu.vector_store_idx %arg8[%parallel_loop3A_96, %parallel_loop3A_141], %parallel_loop3A_138 : memref<128x128xf32, #tpu.memory_space<vmem>>[vector<16xi32>, vector<16xi32>], vector<16xf32>,
          %parallel_loop3A_142 = arith.constant 16 : i32
          %parallel_loop3A_143 = arith.muli %parallel_loop3A_92, %parallel_loop3A_142 : i32
          %parallel_loop3A_144 = arith.constant 5 : i32
          %parallel_loop3A_145 = arith.index_cast %parallel_loop3A_144 : i32 to index
          %parallel_loop3A_146 = arith.index_cast %parallel_loop3A_143 : i32 to index
          %parallel_loop3A_147 = tpu.vector_load %arg6[%parallel_loop3A_145, %parallel_loop3A_146] {strides = array<i32>} : memref<16x1024xf32, #tpu.memory_space<vmem>>, vector<16xf32>,
          %parallel_loop3A_148 = arith.constant 5 : i32
          %parallel_loop3A_149 = vector.broadcast %parallel_loop3A_148 : i32 to vector<16xi32>
          %parallel_loop3A_150 = arith.addi %mul3A_7, %parallel_loop3A_149 : vector<16xi32>
          tpu.vector_store_idx %arg8[%parallel_loop3A_96, %parallel_loop3A_150], %parallel_loop3A_147 : memref<128x128xf32, #tpu.memory_space<vmem>>[vector<16xi32>, vector<16xi32>], vector<16xf32>,
          %parallel_loop3A_151 = arith.constant 16 : i32
          %parallel_loop3A_152 = arith.muli %parallel_loop3A_92, %parallel_loop3A_151 : i32
          %parallel_loop3A_153 = arith.constant 6 : i32
          %parallel_loop3A_154 = arith.index_cast %parallel_loop3A_153 : i32 to index
          %parallel_loop3A_155 = arith.index_cast %parallel_loop3A_152 : i32 to index
          %parallel_loop3A_156 = tpu.vector_load %arg6[%parallel_loop3A_154, %parallel_loop3A_155] {strides = array<i32>} : memref<16x1024xf32, #tpu.memory_space<vmem>>, vector<16xf32>,
          %parallel_loop3A_157 = arith.constant 6 : i32
          %parallel_loop3A_158 = vector.broadcast %parallel_loop3A_157 : i32 to vector<16xi32>
          %parallel_loop3A_159 = arith.addi %mul3A_7, %parallel_loop3A_158 : vector<16xi32>
          tpu.vector_store_idx %arg8[%parallel_loop3A_96, %parallel_loop3A_159], %parallel_loop3A_156 : memref<128x128xf32, #tpu.memory_space<vmem>>[vector<16xi32>, vector<16xi32>], vector<16xf32>,
          %parallel_loop3A_160 = arith.constant 16 : i32
          %parallel_loop3A_161 = arith.muli %parallel_loop3A_92, %parallel_loop3A_160 : i32
          %parallel_loop3A_162 = arith.constant 7 : i32
          %parallel_loop3A_163 = arith.index_cast %parallel_loop3A_162 : i32 to index
          %parallel_loop3A_164 = arith.index_cast %parallel_loop3A_161 : i32 to index
          %parallel_loop3A_165 = tpu.vector_load %arg6[%parallel_loop3A_163, %parallel_loop3A_164] {strides = array<i32>} : memref<16x1024xf32, #tpu.memory_space<vmem>>, vector<16xf32>,
          %parallel_loop3A_166 = arith.constant 7 : i32
          %parallel_loop3A_167 = vector.broadcast %parallel_loop3A_166 : i32 to vector<16xi32>
          %parallel_loop3A_168 = arith.addi %mul3A_7, %parallel_loop3A_167 : vector<16xi32>
          tpu.vector_store_idx %arg8[%parallel_loop3A_96, %parallel_loop3A_168], %parallel_loop3A_165 : memref<128x128xf32, #tpu.memory_space<vmem>>[vector<16xi32>, vector<16xi32>], vector<16xf32>,
          %parallel_loop3A_169 = arith.constant 16 : i32
          %parallel_loop3A_170 = arith.muli %parallel_loop3A_92, %parallel_loop3A_169 : i32
          %parallel_loop3A_171 = arith.constant 8 : i32
          %parallel_loop3A_172 = arith.index_cast %parallel_loop3A_171 : i32 to index
          %parallel_loop3A_173 = arith.index_cast %parallel_loop3A_170 : i32 to index
          %parallel_loop3A_174 = tpu.vector_load %arg6[%parallel_loop3A_172, %parallel_loop3A_173] {strides = array<i32>} : memref<16x1024xf32, #tpu.memory_space<vmem>>, vector<16xf32>,
          %parallel_loop3A_175 = arith.constant 8 : i32
          %parallel_loop3A_176 = vector.broadcast %parallel_loop3A_175 : i32 to vector<16xi32>
          %parallel_loop3A_177 = arith.addi %mul3A_7, %parallel_loop3A_176 : vector<16xi32>
          tpu.vector_store_idx %arg8[%parallel_loop3A_96, %parallel_loop3A_177], %parallel_loop3A_174 : memref<128x128xf32, #tpu.memory_space<vmem>>[vector<16xi32>, vector<16xi32>], vector<16xf32>,
          %parallel_loop3A_178 = arith.constant 16 : i32
          %parallel_loop3A_179 = arith.muli %parallel_loop3A_92, %parallel_loop3A_178 : i32
          %parallel_loop3A_180 = arith.constant 9 : i32
          %parallel_loop3A_181 = arith.index_cast %parallel_loop3A_180 : i32 to index
          %parallel_loop3A_182 = arith.index_cast %parallel_loop3A_179 : i32 to index
          %parallel_loop3A_183 = tpu.vector_load %arg6[%parallel_loop3A_181, %parallel_loop3A_182] {strides = array<i32>} : memref<16x1024xf32, #tpu.memory_space<vmem>>, vector<16xf32>,
          %parallel_loop3A_184 = arith.constant 9 : i32
          %parallel_loop3A_185 = vector.broadcast %parallel_loop3A_184 : i32 to vector<16xi32>
          %parallel_loop3A_186 = arith.addi %mul3A_7, %parallel_loop3A_185 : vector<16xi32>
          tpu.vector_store_idx %arg8[%parallel_loop3A_96, %parallel_loop3A_186], %parallel_loop3A_183 : memref<128x128xf32, #tpu.memory_space<vmem>>[vector<16xi32>, vector<16xi32>], vector<16xf32>,
          %parallel_loop3A_187 = arith.constant 16 : i32
          %parallel_loop3A_188 = arith.muli %parallel_loop3A_92, %parallel_loop3A_187 : i32
          %parallel_loop3A_189 = arith.constant 10 : i32
          %parallel_loop3A_190 = arith.index_cast %parallel_loop3A_189 : i32 to index
          %parallel_loop3A_191 = arith.index_cast %parallel_loop3A_188 : i32 to index
          %parallel_loop3A_192 = tpu.vector_load %arg6[%parallel_loop3A_190, %parallel_loop3A_191] {strides = array<i32>} : memref<16x1024xf32, #tpu.memory_space<vmem>>, vector<16xf32>,
          %parallel_loop3A_193 = arith.constant 10 : i32
          %parallel_loop3A_194 = vector.broadcast %parallel_loop3A_193 : i32 to vector<16xi32>
          %parallel_loop3A_195 = arith.addi %mul3A_7, %parallel_loop3A_194 : vector<16xi32>
          tpu.vector_store_idx %arg8[%parallel_loop3A_96, %parallel_loop3A_195], %parallel_loop3A_192 : memref<128x128xf32, #tpu.memory_space<vmem>>[vector<16xi32>, vector<16xi32>], vector<16xf32>,
          %parallel_loop3A_196 = arith.constant 16 : i32
          %parallel_loop3A_197 = arith.muli %parallel_loop3A_92, %parallel_loop3A_196 : i32
          %parallel_loop3A_198 = arith.constant 11 : i32
          %parallel_loop3A_199 = arith.index_cast %parallel_loop3A_198 : i32 to index
          %parallel_loop3A_200 = arith.index_cast %parallel_loop3A_197 : i32 to index
          %parallel_loop3A_201 = tpu.vector_load %arg6[%parallel_loop3A_199, %parallel_loop3A_200] {strides = array<i32>} : memref<16x1024xf32, #tpu.memory_space<vmem>>, vector<16xf32>,
          %parallel_loop3A_202 = arith.constant 11 : i32
          %parallel_loop3A_203 = vector.broadcast %parallel_loop3A_202 : i32 to vector<16xi32>
          %parallel_loop3A_204 = arith.addi %mul3A_7, %parallel_loop3A_203 : vector<16xi32>
          tpu.vector_store_idx %arg8[%parallel_loop3A_96, %parallel_loop3A_204], %parallel_loop3A_201 : memref<128x128xf32, #tpu.memory_space<vmem>>[vector<16xi32>, vector<16xi32>], vector<16xf32>,
          %parallel_loop3A_205 = arith.constant 16 : i32
          %parallel_loop3A_206 = arith.muli %parallel_loop3A_92, %parallel_loop3A_205 : i32
          %parallel_loop3A_207 = arith.constant 12 : i32
          %parallel_loop3A_208 = arith.index_cast %parallel_loop3A_207 : i32 to index
          %parallel_loop3A_209 = arith.index_cast %parallel_loop3A_206 : i32 to index
          %parallel_loop3A_210 = tpu.vector_load %arg6[%parallel_loop3A_208, %parallel_loop3A_209] {strides = array<i32>} : memref<16x1024xf32, #tpu.memory_space<vmem>>, vector<16xf32>,
          %parallel_loop3A_211 = arith.constant 12 : i32
          %parallel_loop3A_212 = vector.broadcast %parallel_loop3A_211 : i32 to vector<16xi32>
          %parallel_loop3A_213 = arith.addi %mul3A_7, %parallel_loop3A_212 : vector<16xi32>
          tpu.vector_store_idx %arg8[%parallel_loop3A_96, %parallel_loop3A_213], %parallel_loop3A_210 : memref<128x128xf32, #tpu.memory_space<vmem>>[vector<16xi32>, vector<16xi32>], vector<16xf32>,
          %parallel_loop3A_214 = arith.constant 16 : i32
          %parallel_loop3A_215 = arith.muli %parallel_loop3A_92, %parallel_loop3A_214 : i32
          %parallel_loop3A_216 = arith.constant 13 : i32
          %parallel_loop3A_217 = arith.index_cast %parallel_loop3A_216 : i32 to index
          %parallel_loop3A_218 = arith.index_cast %parallel_loop3A_215 : i32 to index
          %parallel_loop3A_219 = tpu.vector_load %arg6[%parallel_loop3A_217, %parallel_loop3A_218] {strides = array<i32>} : memref<16x1024xf32, #tpu.memory_space<vmem>>, vector<16xf32>,
          %parallel_loop3A_220 = arith.constant 13 : i32
          %parallel_loop3A_221 = vector.broadcast %parallel_loop3A_220 : i32 to vector<16xi32>
          %parallel_loop3A_222 = arith.addi %mul3A_7, %parallel_loop3A_221 : vector<16xi32>
          tpu.vector_store_idx %arg8[%parallel_loop3A_96, %parallel_loop3A_222], %parallel_loop3A_219 : memref<128x128xf32, #tpu.memory_space<vmem>>[vector<16xi32>, vector<16xi32>], vector<16xf32>,
          %parallel_loop3A_223 = arith.constant 16 : i32
          %parallel_loop3A_224 = arith.muli %parallel_loop3A_92, %parallel_loop3A_223 : i32
          %parallel_loop3A_225 = arith.constant 14 : i32
          %parallel_loop3A_226 = arith.index_cast %parallel_loop3A_225 : i32 to index
          %parallel_loop3A_227 = arith.index_cast %parallel_loop3A_224 : i32 to index
          %parallel_loop3A_228 = tpu.vector_load %arg6[%parallel_loop3A_226, %parallel_loop3A_227] {strides = array<i32>} : memref<16x1024xf32, #tpu.memory_space<vmem>>, vector<16xf32>,
          %parallel_loop3A_229 = arith.constant 14 : i32
          %parallel_loop3A_230 = vector.broadcast %parallel_loop3A_229 : i32 to vector<16xi32>
          %parallel_loop3A_231 = arith.addi %mul3A_7, %parallel_loop3A_230 : vector<16xi32>
          tpu.vector_store_idx %arg8[%parallel_loop3A_96, %parallel_loop3A_231], %parallel_loop3A_228 : memref<128x128xf32, #tpu.memory_space<vmem>>[vector<16xi32>, vector<16xi32>], vector<16xf32>,
          %parallel_loop3A_232 = arith.constant 16 : i32
          %parallel_loop3A_233 = arith.muli %parallel_loop3A_92, %parallel_loop3A_232 : i32
          %parallel_loop3A_234 = arith.constant 15 : i32
          %parallel_loop3A_235 = arith.index_cast %parallel_loop3A_234 : i32 to index
          %parallel_loop3A_236 = arith.index_cast %parallel_loop3A_233 : i32 to index
          %parallel_loop3A_237 = tpu.vector_load %arg6[%parallel_loop3A_235, %parallel_loop3A_236] {strides = array<i32>} : memref<16x1024xf32, #tpu.memory_space<vmem>>, vector<16xf32>,
          %parallel_loop3A_238 = arith.constant 15 : i32
          %parallel_loop3A_239 = vector.broadcast %parallel_loop3A_238 : i32 to vector<16xi32>
          %parallel_loop3A_240 = arith.addi %mul3A_7, %parallel_loop3A_239 : vector<16xi32>
          tpu.vector_store_idx %arg8[%parallel_loop3A_96, %parallel_loop3A_240], %parallel_loop3A_237 : memref<128x128xf32, #tpu.memory_space<vmem>>[vector<16xi32>, vector<16xi32>], vector<16xf32>,
        } {sc.loop_unroll_factor = 2 : i64, sc.parallel_access}
        %mul3A_84 = arith.constant 32 : i32
        %mul3A_85 = arith.muli %mul3A_84, %add3A_37 : i32
        %add3A_86 = arith.addi %add3A, %mul3A_85 : i32
        %mul3A_87 = arith.constant 128 : i32
        %mul3A_88 = arith.muli %add3A_86, %mul3A_87 : i32
        %dma_start3A = arith.constant 0 : i32
        %dma_start3A_89 = tpu.memref_slice %arg4[%mul3A_88, %dma_start3A] : memref<125056x128xf32, #tpu.memory_space<hbm>> -> memref<128x128xf32, #tpu.memory_space<hbm>>
        %dma_start3A_90 = arith.constant 0 : i32
        %dma_start3A_91 = tpu.memref_slice %arg4[%mul3A_88, %dma_start3A_90] : memref<125056x128xf32, #tpu.memory_space<hbm>> -> memref<128x128xf32, #tpu.memory_space<hbm>>
        tpu.enqueue_dma source(%arg8 : memref<128x128xf32, #tpu.memory_space<vmem>>) target(%dma_start3A_91 : memref<128x128xf32, #tpu.memory_space<hbm>>) target_semaphore(%arg12 : memref<!tpu.dma_semaphore, #tpu.memory_space<semaphore_mem>>)
      } else {
      }
    }
    %scan3A_20 = arith.constant 16 : i32
    %dma_wait3A = arith.constant 0 : i32
    %dma_wait3A_21 = arith.constant 0 : i32
    %dma_wait3A_22 = tpu.memref_slice %arg4[%dma_wait3A, %dma_wait3A_21] : memref<125056x128xf32, #tpu.memory_space<hbm>> -> memref<128x128xf32, #tpu.memory_space<hbm>>
    %dma_wait3A_23 = arith.constant 0 : i32
    %dma_wait3A_24 = arith.constant 0 : i32
    %dma_wait3A_25 = tpu.memref_slice %arg4[%dma_wait3A_23, %dma_wait3A_24] : memref<125056x128xf32, #tpu.memory_space<hbm>> -> memref<128x128xf32, #tpu.memory_space<hbm>>
    tpu.wait_dma2 semaphore(%arg11 : memref<!tpu.dma_semaphore, #tpu.memory_space<semaphore_mem>>) src(%arg7 : memref<128x128xf32, #tpu.memory_space<vmem>>) dst(%dma_wait3A_25 : memref<128x128xf32, #tpu.memory_space<hbm>>)
    %add3A_26 = arith.constant 32 : i32
    %add3A_27 = arith.addi %add3A, %add3A_26 : i32
    %lt3A_28 = arith.constant 977 : i32
    %lt3A_29 = arith.cmpi slt, %add3A_27, %lt3A_28 : i32
    %convert_element_type3A_30 = arith.extui %lt3A_29 : i1 to i32
    %cond3A_31 = arith.constant 0 : i32
    %cond3A_32 = arith.cmpi ne, %convert_element_type3A_30, %cond3A_31 : i32
    scf.if %cond3A_32 {
      %dma_wait3A_33 = arith.constant 0 : i32
      %dma_wait3A_34 = arith.constant 0 : i32
      %dma_wait3A_35 = tpu.memref_slice %arg4[%dma_wait3A_33, %dma_wait3A_34] : memref<125056x128xf32, #tpu.memory_space<hbm>> -> memref<128x128xf32, #tpu.memory_space<hbm>>
      %dma_wait3A_36 = arith.constant 0 : i32
      %dma_wait3A_37 = arith.constant 0 : i32
      %dma_wait3A_38 = tpu.memref_slice %arg4[%dma_wait3A_36, %dma_wait3A_37] : memref<125056x128xf32, #tpu.memory_space<hbm>> -> memref<128x128xf32, #tpu.memory_space<hbm>>
      tpu.wait_dma2 semaphore(%arg12 : memref<!tpu.dma_semaphore, #tpu.memory_space<semaphore_mem>>) src(%arg8 : memref<128x128xf32, #tpu.memory_space<vmem>>) dst(%dma_wait3A_38 : memref<128x128xf32, #tpu.memory_space<hbm>>)
    } else {
    }
    return
  }
}

</mosaic_0001>

<sc_bundles>
// kernel: _detranspose.3.cloned.1.call-start
scs
__scs_entry_jumppad:
0x0: {  	(pc) =	sbr.rel $0x88, $3  }
0x1: {  	(tag) =	ssettag $0x0;
	lr =	simm.s32 $0x1  }
0x2: {  	[smem:$0x3F9F] =	sst lr;
	_ =	strace $0xD0000000  }
0x3: {  	_ = 	snop  }
0x4: {  	_ = 	snop  }
0x5: {  	_ = 	snop  }
0x6: {  	_ = 	snop  }
0x7: {  	_ = 	snop  }
__scs_overlays_trampoline_lowered:
0x8: {  	[smem:$0x3FAE] =	sst s0  }
0x9: {  	[smem:$0x3FAF] =	sst s1  }
0xa: {  	[smem:$0x3FB0] =	sst s2  }
0xb: {  	[smem:$0x3FB1] =	sst s3  }
0xc: {  	[smem:$0x3FB2] =	sst s4  }
0xd: {  	[smem:$0x3FB3] =	sst s5  }
0xe: {  	[smem:$0x3FB4] =	sst s6  }
0xf: {  	[smem:$0x3FB5] =	sst s7  }
0x10: {  	[smem:$0x3FB6] =	sst s8  }
0x11: {  	[smem:$0x3FB7] =	sst s9;
	s0 =	simm.s32 @!p0 $0x0  }
0x12: {  	s1 =	sld [smem:$0x3F9D];
	s0 =	simm.s32 @p0 $0x1  }
0x13: {  	[smem:$0x3FB8] =	sst s0;
	s0 =	simm.s32 @!p1 $0x0  }
0x14: {  	s2 =	sld [smem:$0x3F9C];
	s0 =	simm.s32 @p1 $0x1  }
0x15: {  	[smem:$0x3FB9] =	sst s0;
	s0 =	simm.s32 @!p2 $0x0  }
0x16: {  	s3 =	sld [smem:$0x3FDB];
	s0 =	simm.s32 @p2 $0x1  }
0x17: {  	s4 =	simm.s32 $0x1BF5;
	[smem:$0x3FBB] =	sst s0  }
0x18: {  	s0 =	sld [smem:$0x3F9E];
	_ =	swait.ge [sflag:s4], $0x0  }
0x19: {  	s7 =	sld [smem:$0x3F9F]  }
0x1a: {  	s8 =	sadd.s32 $0xFFFFE003, lr  }
0x1b: {  	s9 =	sadd.s32 $0xFFFFFEF7, lr;
	s5 =	simm.s32 $0xFFFFFFFF;
	p2 =	slt.u32 s8, $0xFFFFF086  }
0x1c: {  	p1 =	slt.u32 s9, $0xF7A;
	s5 =	simm.s32 @!p2 $0x0  }
0x1d: {  	s5 =	simm.s32 @p1 $0x1;
	p0 =	seq.s32 s7, s2  }
0x1e: {  	s7 =	smul.u32 @!p0 $0xF7A, s2;
	p2 =	seq.s32 @!p0 s5, $0x0  }
0x1f: {  	s9 =	smul.u32 $0xF7A, s1;
	s8 =	simm.s32 @!p0 $0x1BF5;
	p2 =	por !p2, p0  }
0x20: {  	[sflag:s8] =	ssyncset.s32 @!p0 $0xFFFFF086;
	s6 =	sadd.s32 @!p0 s3, s7;
	s7 =	simm.s32 @!p0 $0x108  }
0x21: {  	s3 =	sadd.s32 s3, s9;
	s6 =	sadd.s32 @!p0 $0x88, s6;
	s7 =	simm.s32 @p2 $0x1082  }
0x22: {  	[simem:s7], [sflag:s8] =	dma.local @!p0 [hbm:s6], $0xF7A  }
0x23: {  	s9 =	sor.u32 $0xD0000000, s2;
	s6 =	simm.s32 $0x108;
	_ =	swait.ge @!p0 [sflag:s8], $0x0  }
0x24: {  	s3 =	sadd.s32 $0x88, s3;
	s6 =	simm.s32 @!p1 $0x1082;
	[sflag:s4] =	ssyncset.s32 $0xFFFFF086  }
0x25: {  	[simem:s6], [sflag:s4] =	dma.local [hbm:s3], $0xF7A  }
0x26: {  	[smem:$0x3F9F] =	sst s1;
	(tag) =	ssettag s2;
	_ =	strace s9  }
0x27: {  	s1 =	sld [smem:$0x3FAF]  }
0x28: {  	s2 =	sld [smem:$0x3FB0]  }
0x29: {  	s4 =	sld [smem:$0x3FB2]  }
0x2a: {  	p0 =	seq.s32 s5, $0x0;
	s5 =	sld [smem:$0x3FB3]  }
0x2b: {  	s6 =	sld [smem:$0x3FB4]  }
0x2c: {  	s7 =	sld [smem:$0x3FB5]  }
0x2d: {  	s3 =	simm.s32 $0x108;
	s8 =	sld [smem:$0x3FB6]  }
0x2e: {  	s3 =	simm.s32 @!p0 $0x1082;
	s9 =	sld [smem:$0x3FB7]  }
0x2f: {  	lr =	sadd.s32 s0, s3;
	s0 =	sld [smem:$0x3FAE]  }
0x30: {  	s3 =	sld [smem:$0x3FB1]  }
0x31: {  	[smem:$0x3FBA] =	sst s10  }
0x32: {  	s10 =	sld [smem:$0x3FB8];
	_ =	sdelay $0x3  }
0x33: {  	p0 =	seq.s32 s10, $0x1;
	s10 =	sld [smem:$0x3FBA];
	_ =	sdelay $0x3  }
0x34: {  	[smem:$0x3FBA] =	sst s10  }
0x35: {  	s10 =	sld [smem:$0x3FB9];
	_ =	sdelay $0x3  }
0x36: {  	p1 =	seq.s32 s10, $0x1;
	s10 =	sld [smem:$0x3FBA];
	_ =	sdelay $0x3  }
0x37: {  	[smem:$0x3FBA] =	sst s10  }
0x38: {  	s10 =	sld [smem:$0x3FBB]  }
0x39: {  	_ = 	snop;
	(pc) =	sbr.ind lr, $3  }
0x3a: {  	_ = 	snop  }
0x3b: {  	_ = 	snop  }
0x3c: {  	p2 =	seq.s32 s10, $0x1;
	s10 =	sld [smem:$0x3FBA]  }
0x3d: {  	_ =	shalt  }
0x3e: {  	_ =	shalt  }
0x3f: {  	_ =	shalt  }
0x40: {  	_ =	shalt  }
0x41: {  	_ =	shalt  }
0x42: {  	_ =	shalt  }
0x43: {  	_ =	shalt  }
0x44: {  	_ =	shalt  }
0x45: {  	_ =	shalt  }
0x46: {  	_ =	shalt  }
0x47: {  	_ =	shalt  }
0x48: {  	_ =	shalt  }
0x49: {  	_ =	shalt  }
0x4a: {  	_ =	shalt  }
0x4b: {  	_ =	shalt  }
0x4c: {  	_ =	shalt  }
0x4d: {  	_ =	shalt  }
0x4e: {  	_ =	shalt  }
0x4f: {  	_ =	shalt  }
0x50: {  	_ =	shalt  }
0x51: {  	_ =	shalt  }
0x52: {  	_ =	shalt  }
0x53: {  	_ =	shalt  }
0x54: {  	_ =	shalt  }
0x55: {  	_ =	shalt  }
0x56: {  	_ =	shalt  }
0x57: {  	_ =	shalt  }
0x58: {  	_ =	shalt  }
0x59: {  	_ =	shalt  }
0x5a: {  	_ =	shalt  }
0x5b: {  	_ =	shalt  }
0x5c: {  	_ =	shalt  }
0x5d: {  	_ =	shalt  }
0x5e: {  	_ =	shalt  }
0x5f: {  	_ =	shalt  }
0x60: {  	_ =	shalt  }
0x61: {  	_ =	shalt  }
0x62: {  	_ =	shalt  }
0x63: {  	_ =	shalt  }
0x64: {  	_ =	shalt  }
0x65: {  	_ =	shalt  }
0x66: {  	_ =	shalt  }
0x67: {  	_ =	shalt  }
0x68: {  	_ =	shalt  }
0x69: {  	_ =	shalt  }
0x6a: {  	_ =	shalt  }
0x6b: {  	_ =	shalt  }
0x6c: {  	_ =	shalt  }
0x6d: {  	_ =	shalt  }
0x6e: {  	_ =	shalt  }
0x6f: {  	_ =	shalt  }
0x70: {  	_ =	shalt  }
0x71: {  	_ =	shalt  }
0x72: {  	_ =	shalt  }
0x73: {  	_ =	shalt  }
0x74: {  	_ =	shalt  }
0x75: {  	_ =	shalt  }
0x76: {  	_ =	shalt  }
0x77: {  	_ =	shalt  }
0x78: {  	_ =	shalt  }
0x79: {  	_ =	shalt  }
0x7a: {  	_ =	shalt  }
0x7b: {  	_ =	shalt  }
0x7c: {  	_ =	shalt  }
0x7d: {  	_ =	shalt  }
0x7e: {  	_ =	shalt  }
0x7f: {  	_ =	shalt  }
0x80: {  	_ =	shalt  }
0x81: {  	_ =	shalt  }
0x82: {  	_ =	shalt  }
0x83: {  	_ =	shalt  }
0x84: {  	_ =	shalt  }
0x85: {  	_ =	shalt  }
0x86: {  	_ =	shalt  }
0x87: {  	_ =	shalt  }
.Lfunc_end0:
.L_simem_size_0:
called_computation_lowered:
.L_overlay_start_0:
0x88: {  	s2 =	sld [smem:$0x3FD9]  }
0x89: {  	s3 =	sld [smem:$0x3FFE];
	_ =	sdelay $0x1  }
0x8a: {  	s1 =	srdreg.scid  }
0x8b: {  	s0 =	sand.u32 $0x1, s1  }
0x8c: {  	s18 =	sshll.u32 s0, $0xA;
	s2 =	sadd.s32 s3, s2  }
0x8d: {  	s2 =	sadd.s32 s2, s18  }
0x8e: {  	[smem:$0x3FC6] =	sst s2  }
0x8f: {  	_ = 	snop  }
0x90: {  	s2 =	sld [smem:$0x3FC9]  }
0x91: {  	s19 =	sld [smem:$0x3FC8]  }
0x92: {  	s4 =	sld [smem:$0x3FD0];
	(tm) =	ssettm $0x1  }
0x93: {  	s5 =	sld [smem:$0x3FFB];
	_ =	sdelay $0x3  }
0x94: {  	_ =	strace s5  }
0x95: {  	s5 =	sld [smem:$0x3FFC];
	_ =	sdelay $0x3  }
0x96: {  	_ =	strace s5  }
0x97: {  	s5 =	sld [smem:$0x3FFD];
	_ =	sdelay $0x3  }
0x98: {  	_ =	strace s5  }
0x99: {  	_ =	strace $0x8FFFFFFF  }
0x9a: {  	s20 =	sld [smem:$0x3FDB];
	_ =	sdelay $0x1  }
0x9b: {  	s6 =	simm.s32 $_scs_section_size  }
0x9c: {  	s7 =	simm.s32 $_size__tile_overlayer_lowered;
	s8 =	simm.s32 $_tile_overlayer_lowered  }
0x9d: {  	s23 =	simm.s32 $0x1BFF;
	s22 =	sshll.u32 s8, $0x1;
	s5 =	sadd.s32 s6, s20  }
0x9e: {  	s9 =	simm.s32 $0x0;
	s21 =	sshll.u32 s7, $0x1;
	s7 =	sadd.s32 s22, s5  }
0x9f: {  	[timem:s9], [sflag:s23] =	dma.local [hbm:s7], s21  }
0xa0: {  	_ =	swait.ge [sflag:s23], s21  }
0xa1: {  	s6 =	ssub.s32 $0x0, s21;
	[sflag:s23] =	ssyncset.done $0x0  }
0xa2: {  	[sflag:s23] =	ssyncadd.s32 s6;
	_ =	sdelay $0x1  }
0xa3: {  	s24 =	simm.s32 $0x1B8B  }
0xa4: {  	_ =	swait.ge [sflag:s24], $0x1  }
0xa5: {  	[sflag:s24] =	ssyncset.done $0x0  }
0xa6: {  	s25 =	simm.s32 $0x1B8E;
	[sflag:s24] =	ssyncadd.s32 $0xFFFFFFFF  }
0xa7: {  	s26 =	simm.s32 $execute0_lowered;
	[smem:$0x3FD2] =	sst s25  }
0xa8: {  	s6 =	sshll.u32 s26, $0x1;
	_ =	strace $0x80000046;
	[dreg:$0x1] =	wrdreg $0xFFFFFFFF  }
0xa9: {  	s28 =	simm.s32 $_size_execute0_lowered;
	s5 =	sadd.s32 s5, s6;
	[dreg:$0x0] =	wrdreg $0x0  }
0xaa: {  	s6 =	sshll.u32 s28, $0x1;
	[dreg:$0x2] =	wrdreg s5  }
0xab: {  	[dreg:$0x3] =	wrdreg s6  }
0xac: {  	[dreg:$0x4] =	wrdreg $0xC0  }
0xad: {  	_ =	task [dreg:s9], $0x5FFFF  }
0xae: {  	[dreg:$0x1] =	wrdreg $0xFFFFFFFF  }
0xaf: {  	[dreg:$0x0] =	wrdreg $0x60  }
0xb0: {  	[dreg:$0x2] =	wrdreg s2  }
0xb1: {  	[dreg:$0x3] =	wrdreg s19  }
0xb2: {  	[dreg:$0x4] =	wrdreg s4  }
0xb3: {  	[dreg:$0x5] =	wrdreg $0x9  }
0xb4: {  	_ =	task.clear_ibuf [dreg:s9], $0x6FFFF;
	_ =	strace $0x90000046  }
0xb5: {  	s29 =	simm.s32 $0x9;
	_ =	strace $0x80000048  }
0xb6: {  	_ =	swait.ge [sflag:s29], $0x1  }
0xb7: {  	[sflag:s29] =	ssyncadd.s32 $0xFFFFFFFF  }
0xb8: {  	_ =	strace $0x90000048  }
0xb9: {  	_ =	sfence  }
0xba: {  	s30 =	sld [smem:$0x0];
	_ =	sdelay $0x2  }
0xbb: {  	s31 =	sshll.u32 s1, $0xD;
	s1 =	sshrl.u32 s1, $0x2  }
0xbc: {  	s3 =	sand.u32 $0x4000, s31;
	s1 =	sadd.s32 s1, s30  }
0xbd: {  	s0 =	sor.u32 s3, s0;
	s1 =	sshll.u32 s1, $0x11  }
0xbe: {  	s0 =	sor.u32 s1, s0  }
0xbf: {  	s0 =	sadd.s32 $0x8F2B, s0  }
0xc0: {  	[sflag:s0] =	ssyncadd.remote.s32 $0x1  }
0xc1: {  	_ =	sfence.sel $0xFFFF  }
0xc2: {  	[dreg:$0x0] =	wrdreg $0xFFFFFFFF;
	(pc) =	sbr.abs _section_cstart, $3  }
0xc3: {  	[dreg:$0x1] =	wrdreg $0xFFFFFFFF  }
0xc4: {  	_ =	task.clear_ibuf [dreg:s9], $0x2FFFF;
	_ =	strace $0x9FFFFFFF  }
0xc5: {  	(tm) =	ssettm $0x7FFFFFFF  }
tec
execute0_lowered:
.L_overlay_start_1:
0x0: {  	(tag) =	ssettag $0x1  }
0x1: {  	s4 =	rddreg [dreg:$0x0];
	v0 =	vlaneseq.u32  }
0x2: {  	s0 =	srdreg.scid;
	s2 =	stileid.u32;
	v1 =	vand.u32 $0x7, v0  }
0x3: {  	s3 =	simm.s32 $0x0;
	s0 =	sand.u32 $0x1, s0;
	s2 =	sshll.u32 s2, $0x1;
	v2 =	vshrl.u32 v0, $0x3;
	v0 =	vmul.u32 $0x10, v1  }
0x4: {  	[smem:$0x7FF] =	sst s3;
	s1 =	ssub.s32 $0x2, s0;
	s2 =	sor.u32 s0, s2;
	v1 =	vmul.u32 $0x80, v2  }
.Ltmp0:
0x5: {  	_ =	strace $0x80000047;
	s28 =	sshrl.u32 s1, $0x1;
	v2 =	vor.u32 $0x1, v0;
	v3 =	vor.u32 $0x2, v0;
	v4 =	vor.u32 $0x3, v0;
	(pc) =	sbr.rel .LBB2_1-.Ltmp0, $4  }
0x6: {  	s30 =	sshll.u32 s2, $0xA;
	[smem:$0x7FB] =	sst s2;
	s31 =	sor.u32 $0x40, s2;
	v5 =	vor.u32 $0x4, v0;
	v6 =	vor.u32 $0x5, v0;
	v7 =	vor.u32 $0x6, v0  }
0x7: {  	s29 =	ssub.s32 s1, s28;
	s1 =	sadd.s32 s4, s30;
	[smem:$0x7FC] =	sst s31;
	v8 =	vor.u32 $0x7, v0;
	v9 =	vor.u32 $0x8, v0;
	v10 =	vor.u32 $0x9, v0  }
0x8: {  	s6 =	simm.s32 $0x8000;
	v11 =	vor.u32 $0xA, v0;
	v12 =	vor.u32 $0xB, v0;
	v13 =	vor.u32 $0xC, v0;
	[smem:$0x7FA] =	sst s1;
	s0 =	smax.u32 s29, $0x1  }
0x9: {  	s8 =	simm.s32 $0xC000;
	s2 =	simm.s32 $0x0;
	v14 =	vor.u32 $0xD, v0;
	v15 =	vor.u32 $0xE, v0;
	v16 =	vor.u32 $0xF, v0;
	[smem:$0x7FD] =	sst s0  }
.LBB2_11:
0xa: {  	s0 =	simm.s32 $0x3  }
0xb: {  	_ =	swait.ge [sflag:s0], $0x4000  }
0xc: {  	[sflag:s0] =	ssyncset.done $0x0  }
0xd: {  	s1 =	simm.s32 $0x4;
	[sflag:s0] =	ssyncadd.s32 $0xFFFFC000  }
0xe: {  	_ =	swait.ge [sflag:s1], $0x4000  }
0xf: {  	s2 =	sld [smem:$0x7F9]  }
0x10: {  	s31 =	sld [smem:$0x7FD];
	_ =	sdelay $0x1  }
0x11: {  	s2 =	sadd.s32 $0x1, s2  }
0x12: {  	p0 =	sne.s32 s2, s31  }
.Ltmp1:
0x13: {  	_ = 	snop;
	(pc) =	sbr.rel @!p0 .LBB2_12-.Ltmp1, $3  }
0x14: {  	_ =	sdelay $0x1  }
0x15: {  	[sflag:s1] =	ssyncset.done $0x0  }
0x16: {  	[sflag:s1] =	ssyncadd.s32 $0xFFFFC000  }
.LBB2_1:
.Ltmp2:
0x17: {  	(pc) =	sbr.rel .LBB2_2-.Ltmp2, $4  }
0x18: {  	s1 =	sld [smem:$0x7FA]  }
0x19: {  	[smem:$0x7F9] =	sst s2;
	s0 =	simm.s32 $0x0  }
0x1a: {  	s31 =	simm.s32 $0x2000;
	s3 =	simm.s32 $0x7A1400;
	s5 =	simm.s32 $0x0  }
0x1b: {  	[tilespmem:s0], [sflag:$0x1] =	stream.strided.gather [hbm4b:s1+s31], $0x4000, s3, s31, $0x38;
	[tilespmem:$0x10000] =	vst v63  }
.LBB2_10:
0x1c: {  	s5 =	sadd.s32 $0x1, s5  }
0x1d: {  	p0 =	sne.s32 s5, $0x10  }
.Ltmp3:
0x1e: {  	_ = 	snop;
	(pc) =	sbr.rel @!p0 .LBB2_11-.Ltmp3, $1  }
0x1f: {  	_ =	sdelay $0x3  }
.LBB2_2:
0x20: {  	s0 =	sld [smem:$0x7FB];
	_ =	sdelay $0x1  }
0x21: {  	s7 =	sshll.u32 s5, $0x6  }
0x22: {  	s9 =	sor.u32 s7, s0  }
0x23: {  	p2 =	sgt.u32 s9, $0x3D0  }
.Ltmp4:
0x24: {  	s0 =	sor.u32 $0x20, s9;
	(pc) =	sbr.rel @p2 .LBB2_6-.Ltmp4, $4  }
0x25: {  	p0 =	seq.s32 s5, $0x0;
	[smem:$0x7F8] =	sst s5;
	p1 =	sgt.u32 s0, $0x3D0  }
0x26: {  	[smem:$0x7F7] =	sst s0;
	s0 =	sshll.u32 @!p1 s0, $0xA;
	s1 =	simm.s32 @!p1 $0x2000  }
0x27: {  	s2 =	simm.s32 @!p1 $0x7A1400;
	s3 =	simm.s32 @!p1 $0x4000;
	s0 =	sadd.s32 @!p1 s4, s0  }
0x28: {  	[tilespmem:s3], [sflag:$0x2] =	stream.strided.gather @!p1 [hbm4b:s0+s1], $0x4000, s2, s1, $0x38;
	[tilespmem:$0x10000] =	vst v63  }
0x29: {  	[smem:$0x7EE] =	sst s9  }
0x2a: {  	[smem:$0x7EF] =	sst s7;
	s0 =	simm.s32 $0x1  }
0x2b: {  	_ =	swait.ge [sflag:s0], $0x4000  }
0x2c: {  	[sflag:s0] =	ssyncset.done $0x0  }
0x2d: {  	s1 =	simm.s32 @!p0 $0x3;
	s12 =	simm.s32 $0x2;
	[sflag:s0] =	ssyncadd.s32 $0xFFFFC000  }
0x2e: {  	s13 =	simm.s32 $0x10;
	s10 =	simm.s32 $0x0;
	v17 =	vmov s12;
	_ =	swait.ge @!p0 [sflag:s1], $0x4000  }
0x2f: {  	s3 =	sand.u32 $0x1C00, s10;
	v17 =	vshll.u32 v17, $0x7;
	s0 =	sand.u32 $0x70, s13;
	[sflag:s1] =	ssyncset.done @!p0 $0x0  }
0x30: {  	v23 =	vor.u32 v1, v17;
	s8 =	sor.u32 s0, s3;
	[sflag:s1] =	ssyncadd.s32 @!p0 $0xFFFFC000  }
0x31: {  	v17 =	vor.u32 v0, v23;
	v18 =	vld [tilespmem:s8+$0x0];
	_ =	sdelay $0x4  }
0x32: {  	[tilespmem:v17+s6+$0x0] =	vst.idx.msk $0xffff, v18  }
0x33: {  	v17 =	vor.u32 v2, v23;
	v18 =	vld [tilespmem:s8+$0x80];
	_ =	sdelay $0x4  }
0x34: {  	[tilespmem:v17+s6+$0x0] =	vst.idx.msk $0xffff, v18  }
0x35: {  	v18 =	vor.u32 v3, v23;
	v17 =	vld [tilespmem:s8+$0x100];
	_ =	sdelay $0x4  }
0x36: {  	s14 =	simm.s32 $0x0;
	[tilespmem:v18+s6+$0x0] =	vst.idx.msk $0xffff, v17  }
0x37: {  	s16 =	simm.s32 $0x0;
	v19 =	vor.u32 v4, v23;
	v17 =	vmov s14;
	v18 =	vld [tilespmem:s8+$0x180]  }
0x38: {  	s5 =	sand.u32 $0x60, s16;
	v17 =	vshll.u32 v17, $0x7  }
0x39: {  	s15 =	sor.u32 s5, s3;
	v24 =	vor.u32 v1, v17  }
0x3a: {  	s20 =	simm.s32 $0x4;
	v20 =	vld [tilespmem:s15+$0x0];
	v21 =	vor.u32 v0, v24  }
0x3b: {  	s31 =	simm.s32 $0x8000;
	s9 =	simm.s32 $0x100;
	s12 =	simm.s32 $0x20;
	v17 =	vmov s20  }
0x3c: {  	s2 =	sand.u32 $0x1C00, s9;
	s20 =	sand.u32 $0x60, s12;
	v17 =	vshll.u32 v17, $0x7;
	[tilespmem:v19+s31+$0x0] =	vst.idx.msk $0xffff, v18  }
0x3d: {  	v22 =	vor.u32 v5, v23;
	s11 =	sor.u32 s20, s2;
	v17 =	vor.u32 v1, v17;
	v19 =	vld [tilespmem:s8+$0x200]  }
0x3e: {  	s4 =	simm.s32 $0x6;
	v25 =	vld [tilespmem:s11+$0x0];
	v26 =	vor.u32 v0, v17  }
0x3f: {  	s1 =	simm.s32 $0x30;
	v18 =	vmov s4;
	[tilespmem:v21+s31+$0x0] =	vst.idx.msk $0xffff, v20  }
0x40: {  	s4 =	sand.u32 $0x70, s1;
	v18 =	vshll.u32 v18, $0x7;
	v21 =	vor.u32 v2, v24;
	v20 =	vld [tilespmem:s15+$0x80]  }
0x41: {  	s18 =	sor.u32 s4, s2;
	v18 =	vor.u32 v1, v18  }
0x42: {  	[tilespmem:v22+s31+$0x0] =	vst.idx.msk $0xffff, v19;
	v19 =	vor.u32 v0, v18;
	v22 =	vld [tilespmem:s18+$0x0]  }
0x43: {  	v28 =	vor.u32 v6, v23;
	[tilespmem:v26+s31+$0x0] =	vst.idx.msk $0xffff, v25;
	v27 =	vld [tilespmem:s8+$0x280]  }
0x44: {  	s21 =	sand.u32 $0x7, s10;
	v26 =	vor.u32 v2, v17;
	v25 =	vld [tilespmem:s11+$0x80]  }
0x45: {  	s8 =	sshll.u32 s21, $0x4;
	[tilespmem:v21+s31+$0x0] =	vst.idx.msk $0xffff, v20  }
0x46: {  	v21 =	vor.u32 v3, v24;
	s8 =	sadd.s32 $0x0, s8;
	v20 =	vld [tilespmem:s15+$0x100]  }
0x47: {  	s8 =	sadd.s32 $0x10, s8;
	[tilespmem:v19+s31+$0x0] =	vst.idx.msk $0xffff, v22  }
0x48: {  	s8 =	sor.u32 $0x300, s8;
	v19 =	vor.u32 v2, v18;
	[tilespmem:v28+s31+$0x0] =	vst.idx.msk $0xffff, v27;
	v22 =	vld [tilespmem:s18+$0x80]  }
0x49: {  	[tilespmem:v26+s31+$0x0] =	vst.idx.msk $0xffff, v25;
	v28 =	vor.u32 v7, v23;
	v27 =	vld [tilespmem:s8+$0x0]  }
0x4a: {  	v26 =	vor.u32 v3, v17;
	v25 =	vld [tilespmem:s11+$0x100]  }
0x4b: {  	[tilespmem:v21+s31+$0x0] =	vst.idx.msk $0xffff, v20  }
0x4c: {  	v21 =	vor.u32 v4, v24;
	v20 =	vld [tilespmem:s15+$0x180]  }
0x4d: {  	s7 =	sor.u32 s13, s10;
	[tilespmem:v19+s31+$0x0] =	vst.idx.msk $0xffff, v22  }
0x4e: {  	s7 =	sor.u32 $0x380, s7;
	v22 =	vor.u32 v3, v18;
	[tilespmem:v28+s31+$0x0] =	vst.idx.msk $0xffff, v27;
	v19 =	vld [tilespmem:s18+$0x100]  }
0x4f: {  	[tilespmem:v26+s31+$0x0] =	vst.idx.msk $0xffff, v25;
	v28 =	vor.u32 v8, v23;
	v27 =	vld [tilespmem:s7+$0x0]  }
0x50: {  	v26 =	vor.u32 v4, v17;
	v25 =	vld [tilespmem:s11+$0x180]  }
0x51: {  	[tilespmem:v21+s31+$0x0] =	vst.idx.msk $0xffff, v20  }
0x52: {  	v21 =	vor.u32 v5, v24;
	v20 =	vld [tilespmem:s15+$0x200]  }
0x53: {  	s19 =	sor.u32 $0x2000, s3;
	[tilespmem:v22+s31+$0x0] =	vst.idx.msk $0xffff, v19  }
0x54: {  	s22 =	sor.u32 s0, s19;
	v22 =	vor.u32 v4, v18;
	[tilespmem:v28+s31+$0x0] =	vst.idx.msk $0xffff, v27;
	v19 =	vld [tilespmem:s18+$0x180]  }
0x55: {  	[tilespmem:v26+s31+$0x0] =	vst.idx.msk $0xffff, v25;
	v28 =	vor.u32 v9, v23;
	v27 =	vld [tilespmem:s22+$0x0]  }
0x56: {  	v26 =	vor.u32 v5, v17;
	v25 =	vld [tilespmem:s11+$0x200]  }
0x57: {  	[tilespmem:v21+s31+$0x0] =	vst.idx.msk $0xffff, v20  }
0x58: {  	s24 =	sand.u32 $0x3, s10;
	v21 =	vor.u32 v6, v24;
	v20 =	vld [tilespmem:s15+$0x280]  }
0x59: {  	s25 =	simm.s32 $0x8;
	s17 =	sor.u32 $0x2080, s3;
	s13 =	sshll.u32 s24, $0x5;
	[tilespmem:v22+s31+$0x0] =	vst.idx.msk $0xffff, v19  }
0x5a: {  	s23 =	sor.u32 s0, s17;
	s7 =	simm.s32 $0x200;
	s15 =	simm.s32 $0x40;
	v19 =	vmov s25;
	[tilespmem:v28+s31+$0x0] =	vst.idx.msk $0xffff, v27;
	v22 =	vld [tilespmem:s18+$0x200];
	v27 =	vor.u32 v5, v18  }
0x5b: {  	v29 =	vor.u32 v10, v23;
	s21 =	simm.s32 $0xA;
	s8 =	sand.u32 $0x1C00, s7;
	[tilespmem:v26+s31+$0x0] =	vst.idx.msk $0xffff, v25;
	s6 =	sand.u32 $0x60, s15;
	v19 =	vshll.u32 v19, $0x7;
	v28 =	vld [tilespmem:s23+$0x0]  }
0x5c: {  	s13 =	sadd.s32 $0x0, s13;
	s14 =	simm.s32 $0x50;
	v30 =	vor.u32 v6, v17;
	v25 =	vmov s21;
	v26 =	vld [tilespmem:s11+$0x280];
	s21 =	sor.u32 s6, s8;
	v19 =	vor.u32 v1, v19  }
0x5d: {  	s26 =	sor.u32 $0x300, s13;
	s13 =	sand.u32 $0x70, s14;
	s22 =	simm.s32 $0x1;
	[tilespmem:v21+s31+$0x0] =	vst.idx.msk $0xffff, v20;
	v20 =	vshll.u32 v25, $0x7;
	v21 =	vld [tilespmem:s21+$0x0];
	v25 =	vor.u32 v0, v19  }
0x5e: {  	v32 =	vor.u32 v7, v24;
	s23 =	sand.u32 $0x3, s22;
	v31 =	vld [tilespmem:s26+$0x0];
	s26 =	sor.u32 s13, s8;
	v20 =	vor.u32 v1, v20  }
0x5f: {  	s22 =	sor.u32 $0x2100, s3;
	s23 =	sshll.u32 s23, $0x5;
	[tilespmem:v27+s31+$0x0] =	vst.idx.msk $0xffff, v22;
	v22 =	vor.u32 v0, v20;
	v27 =	vld [tilespmem:s26+$0x0]  }
0x60: {  	s25 =	simm.s32 $0x2;
	s24 =	sor.u32 s0, s22;
	s23 =	sadd.s32 $0x100, s23;
	[tilespmem:v29+s31+$0x0] =	vst.idx.msk $0xffff, v28;
	v28 =	vld [tilespmem:s18+$0x280];
	v29 =	vor.u32 v6, v18  }
0x61: {  	s11 =	sand.u32 $0x7, s25;
	[tilespmem:v30+s31+$0x0] =	vst.idx.msk $0xffff, v26;
	v30 =	vor.u32 v11, v23;
	s18 =	sor.u32 $0x300, s23;
	v26 =	vld [tilespmem:s24+$0x0]  }
0x62: {  	s10 =	sor.u32 s16, s10;
	v34 =	vor.u32 v7, v17;
	s25 =	sshll.u32 s11, $0x4;
	v33 =	vld [tilespmem:s18+$0x0];
	[tilespmem:v25+s31+$0x0] =	vst.idx.msk $0xffff, v21  }
0x63: {  	s10 =	sor.u32 $0x380, s10;
	s16 =	sadd.s32 $0x100, s25;
	v25 =	vor.u32 v2, v19;
	[tilespmem:v32+s31+$0x0] =	vst.idx.msk $0xffff, v31;
	v21 =	vld [tilespmem:s21+$0x80]  }
0x64: {  	v42 =	vor.u32 v8, v24;
	s16 =	sadd.s32 $0x10, s16;
	v31 =	vld [tilespmem:s10+$0x0];
	[tilespmem:v22+s31+$0x0] =	vst.idx.msk $0xffff, v27  }
0x65: {  	s16 =	sor.u32 $0x300, s16;
	s10 =	sor.u32 $0x2180, s3;
	v22 =	vor.u32 v2, v20;
	[tilespmem:v29+s31+$0x0] =	vst.idx.msk $0xffff, v28;
	v27 =	vld [tilespmem:s26+$0x80]  }
0x66: {  	s12 =	sor.u32 s12, s9;
	s11 =	sor.u32 s0, s10;
	v29 =	vor.u32 v7, v18;
	v28 =	vld [tilespmem:s16+$0x0];
	[tilespmem:v30+s31+$0x0] =	vst.idx.msk $0xffff, v26  }
0x67: {  	s12 =	sor.u32 $0x380, s12;
	[tilespmem:v34+s31+$0x0] =	vst.idx.msk $0xffff, v33;
	v30 =	vor.u32 v12, v23;
	v26 =	vld [tilespmem:s11+$0x0]  }
0x68: {  	v43 =	vor.u32 v8, v17;
	v33 =	vld [tilespmem:s12+$0x0];
	[tilespmem:v25+s31+$0x0] =	vst.idx.msk $0xffff, v21  }
0x69: {  	s18 =	sor.u32 s5, s19;
	v25 =	vor.u32 v3, v19;
	[tilespmem:v42+s31+$0x0] =	vst.idx.msk $0xffff, v31;
	v21 =	vld [tilespmem:s21+$0x100]  }
0x6a: {  	v44 =	vor.u32 v9, v24;
	s1 =	sor.u32 s1, s9;
	v31 =	vld [tilespmem:s18+$0x0];
	[tilespmem:v22+s31+$0x0] =	vst.idx.msk $0xffff, v27  }
0x6b: {  	s9 =	sor.u32 $0x2200, s3;
	s1 =	sor.u32 $0x380, s1;
	v27 =	vor.u32 v3, v20;
	[tilespmem:v29+s31+$0x0] =	vst.idx.msk $0xffff, v28;
	v22 =	vld [tilespmem:s26+$0x100]  }
0x6c: {  	s23 =	sor.u32 $0x2000, s2;
	s19 =	sor.u32 s0, s9;
	v29 =	vor.u32 v8, v18;
	v28 =	vld [tilespmem:s1+$0x0];
	[tilespmem:v30+s31+$0x0] =	vst.idx.msk $0xffff, v26  }
0x6d: {  	s24 =	sor.u32 s20, s23;
	[tilespmem:v43+s31+$0x0] =	vst.idx.msk $0xffff, v33;
	v30 =	vor.u32 v13, v23;
	v26 =	vld [tilespmem:s19+$0x0]  }
0x6e: {  	v45 =	vor.u32 v9, v17;
	v33 =	vld [tilespmem:s24+$0x0];
	[tilespmem:v25+s31+$0x0] =	vst.idx.msk $0xffff, v21  }
0x6f: {  	s25 =	sor.u32 s5, s17;
	v25 =	vor.u32 v4, v19;
	[tilespmem:v44+s31+$0x0] =	vst.idx.msk $0xffff, v31;
	v21 =	vld [tilespmem:s21+$0x180]  }
0x70: {  	v46 =	vor.u32 v10, v24;
	v31 =	vld [tilespmem:s25+$0x0];
	[tilespmem:v27+s31+$0x0] =	vst.idx.msk $0xffff, v22  }
0x71: {  	s16 =	sor.u32 s4, s23;
	s11 =	sor.u32 $0x2280, s3;
	v27 =	vor.u32 v4, v20;
	[tilespmem:v29+s31+$0x0] =	vst.idx.msk $0xffff, v28;
	v22 =	vld [tilespmem:s26+$0x180]  }
0x72: {  	s17 =	sor.u32 s0, s11;
	s18 =	sor.u32 $0x2080, s2;
	v29 =	vor.u32 v9, v18;
	v28 =	vld [tilespmem:s16+$0x0];
	[tilespmem:v30+s31+$0x0] =	vst.idx.msk $0xffff, v26  }
0x73: {  	s19 =	sor.u32 s20, s18;
	[tilespmem:v45+s31+$0x0] =	vst.idx.msk $0xffff, v33;
	v30 =	vor.u32 v14, v23;
	v26 =	vld [tilespmem:s17+$0x0]  }
0x74: {  	v47 =	vor.u32 v10, v17;
	v33 =	vld [tilespmem:s19+$0x0];
	[tilespmem:v25+s31+$0x0] =	vst.idx.msk $0xffff, v21  }
0x75: {  	s23 =	sor.u32 s5, s22;
	s25 =	sor.u32 $0x2300, s3;
	v25 =	vor.u32 v5, v19;
	[tilespmem:v46+s31+$0x0] =	vst.idx.msk $0xffff, v31;
	v21 =	vld [tilespmem:s21+$0x200]  }
0x76: {  	v48 =	vor.u32 v11, v24;
	s28 =	sor.u32 s5, s9;
	s12 =	sor.u32 s4, s18;
	s9 =	sor.u32 s0, s25;
	v31 =	vld [tilespmem:s23+$0x0];
	[tilespmem:v27+s31+$0x0] =	vst.idx.msk $0xffff, v22  }
0x77: {  	s22 =	sor.u32 s5, s25;
	s25 =	simm.s32 $0xC;
	s16 =	sor.u32 $0x2100, s2;
	v27 =	vor.u32 v5, v20;
	[tilespmem:v29+s31+$0x0] =	vst.idx.msk $0xffff, v28;
	v22 =	vld [tilespmem:s26+$0x200]  }
0x78: {  	s30 =	simm.s32 $0x70;
	v49 =	vmov s25;
	s25 =	simm.s32 $0x300;
	s18 =	sor.u32 s20, s16;
	v28 =	vor.u32 v10, v18;
	[tilespmem:v30+s31+$0x0] =	vst.idx.msk $0xffff, v26;
	v26 =	vld [tilespmem:s12+$0x0]  }
0x79: {  	s23 =	sor.u32 s5, s11;
	s11 =	sor.u32 $0x2380, s3;
	s3 =	simm.s32 $0x60;
	v29 =	vor.u32 v15, v23;
	[tilespmem:v47+s31+$0x0] =	vst.idx.msk $0xffff, v33;
	v30 =	vld [tilespmem:s9+$0x0]  }
0x7a: {  	v50 =	vor.u32 v11, v17;
	s12 =	sor.u32 s4, s16;
	s16 =	sand.u32 $0x1C00, s25;
	[tilespmem:v25+s31+$0x0] =	vst.idx.msk $0xffff, v21;
	v25 =	vld [tilespmem:s18+$0x0];
	v21 =	vshll.u32 v49, $0x7;
	s18 =	sand.u32 $0x60, s3  }
0x7b: {  	v51 =	vor.u32 v6, v19;
	s24 =	sor.u32 s5, s10;
	s19 =	sor.u32 s5, s11;
	[tilespmem:v48+s31+$0x0] =	vst.idx.msk $0xffff, v31;
	v31 =	vld [tilespmem:s21+$0x280];
	s10 =	sor.u32 s18, s16;
	v21 =	vor.u32 v1, v21  }
0x7c: {  	s17 =	sor.u32 s0, s11;
	s5 =	simm.s32 $0xE;
	s11 =	simm.s32 $0x2;
	v53 =	vld [tilespmem:s10+$0x0];
	v36 =	vor.u32 v0, v21;
	[tilespmem:v27+s31+$0x0] =	vst.idx.msk $0xffff, v22  }
0x7d: {  	v35 =	vor.u32 v12, v24;
	s1 =	sand.u32 $0x70, s30;
	s0 =	simm.s32 $0x4;
	v52 =	vmov s5;
	s9 =	sand.u32 $0x3, s11;
	v27 =	vld [tilespmem:s24+$0x0];
	[tilespmem:v28+s31+$0x0] =	vst.idx.msk $0xffff, v26  }
0x7e: {  	s3 =	sor.u32 s1, s16;
	s21 =	sshll.u32 s9, $0x5;
	v22 =	vshll.u32 v52, $0x7;
	s24 =	sand.u32 $0x7, s0;
	v26 =	vld [tilespmem:s26+$0x280];
	v28 =	vor.u32 v6, v20;
	[tilespmem:v29+s31+$0x0] =	vst.idx.msk $0xffff, v30  }
0x7f: {  	s5 =	sadd.s32 $0x200, s21;
	v22 =	vor.u32 v1, v22;
	s21 =	sshll.u32 s24, $0x4;
	v30 =	vld [tilespmem:s3+$0x0];
	[tilespmem:v50+s31+$0x0] =	vst.idx.msk $0xffff, v25  }
0x80: {  	s5 =	sor.u32 $0x300, s5;
	v29 =	vor.u32 v0, v22;
	v25 =	vld [tilespmem:s12+$0x0];
	s21 =	sadd.s32 $0x200, s21;
	[tilespmem:v51+s31+$0x0] =	vst.idx.msk $0xffff, v31  }
0x81: {  	s12 =	sor.u32 $0x2200, s2;
	s24 =	sadd.s32 $0x10, s21;
	v32 =	vld [tilespmem:s5+$0x0];
	[tilespmem:v36+s31+$0x0] =	vst.idx.msk $0xffff, v53  }
0x82: {  	v31 =	vor.u32 v11, v18;
	s21 =	sor.u32 $0x2280, s2;
	s5 =	sor.u32 s4, s12;
	s24 =	sor.u32 $0x300, s24;
	[tilespmem:v35+s31+$0x0] =	vst.idx.msk $0xffff, v27;
	v56 =	vld [tilespmem:s10+$0x80]  }
0x83: {  	v27 =	vld [tilespmem:s28+$0x0];
	s28 =	sor.u32 s20, s12;
	[tilespmem:v28+s31+$0x0] =	vst.idx.msk $0xffff, v26;
	s12 =	sor.u32 s4, s21;
	s21 =	sor.u32 s20, s21  }
0x84: {  	s29 =	sor.u32 $0x2300, s2;
	v54 =	vor.u32 v7, v19;
	v26 =	vld [tilespmem:s24+$0x0];
	[dreg:$0x11] =	wrdreg s21  }
0x85: {  	v55 =	vor.u32 v13, v24;
	s21 =	sor.u32 s20, s29;
	[tilespmem:v29+s31+$0x0] =	vst.idx.msk $0xffff, v30  }
0x86: {  	v57 =	vor.u32 v2, v21;
	s26 =	sor.u32 $0x2180, s2;
	s2 =	sor.u32 $0x2380, s2;
	[dreg:$0x6] =	wrdreg s21  }
0x87: {  	v28 =	vor.u32 v7, v20;
	s24 =	sor.u32 s4, s29;
	s29 =	sor.u32 s20, s2;
	s2 =	sor.u32 s4, s2;
	[tilespmem:v31+s31+$0x0] =	vst.idx.msk $0xffff, v25  }
0x88: {  	v29 =	vor.u32 v2, v22;
	v30 =	vld [tilespmem:s3+$0x80];
	[dreg:$0x4] =	wrdreg s2  }
0x89: {  	s15 =	sor.u32 s15, s7;
	s9 =	sor.u32 s4, s26;
	[tilespmem:v54+s31+$0x0] =	vst.idx.msk $0xffff, v32  }
0x8a: {  	s7 =	sor.u32 s14, s7;
	s15 =	sor.u32 $0x380, s15;
	s21 =	sor.u32 $0x2080, s8;
	v25 =	vld [tilespmem:s9+$0x0];
	[tilespmem:v55+s31+$0x0] =	vst.idx.msk $0xffff, v27  }
0x8b: {  	s14 =	sor.u32 $0x380, s7;
	v31 =	vor.u32 v12, v18;
	s2 =	sor.u32 s13, s21;
	[tilespmem:v57+s31+$0x0] =	vst.idx.msk $0xffff, v56;
	v32 =	vld [tilespmem:s15+$0x0]  }
0x8c: {  	s9 =	sor.u32 s6, s21;
	[tilespmem:v28+s31+$0x0] =	vst.idx.msk $0xffff, v26;
	s21 =	sor.u32 $0x2180, s8;
	v27 =	vld [tilespmem:s23+$0x0];
	s23 =	sor.u32 $0x2100, s8  }
0x8d: {  	v26 =	vld [tilespmem:s14+$0x0];
	s14 =	sor.u32 s6, s23;
	s7 =	sor.u32 s13, s23;
	s23 =	sor.u32 s13, s21;
	[tilespmem:v29+s31+$0x0] =	vst.idx.msk $0xffff, v30  }
0x8e: {  	v35 =	vld [tilespmem:s10+$0x100];
	[dreg:$0x1d] =	wrdreg s23;
	s23 =	sor.u32 s6, s21  }
0x8f: {  	v58 =	vor.u32 v8, v19;
	[dreg:$0x13] =	wrdreg s23  }
0x90: {  	s21 =	sor.u32 $0x2200, s8;
	[tilespmem:v31+s31+$0x0] =	vst.idx.msk $0xffff, v25  }
0x91: {  	v59 =	vor.u32 v14, v24;
	v25 =	vld [tilespmem:s5+$0x0];
	s5 =	sor.u32 s13, s21  }
0x92: {  	v60 =	vor.u32 v3, v21;
	v29 =	vld [tilespmem:s3+$0x100];
	[dreg:$0x12] =	wrdreg s5;
	s5 =	sor.u32 s6, s21  }
0x93: {  	v28 =	vor.u32 v8, v20;
	s23 =	sor.u32 $0x2280, s8;
	[dreg:$0x10] =	wrdreg s5  }
0x94: {  	s26 =	sor.u32 s20, s26;
	s20 =	sor.u32 $0x2000, s8;
	s21 =	sor.u32 s13, s23;
	[tilespmem:v58+s31+$0x0] =	vst.idx.msk $0xffff, v32  }
0x95: {  	s15 =	sor.u32 s6, s20;
	s20 =	sor.u32 s13, s20;
	[dreg:$0xb] =	wrdreg s21  }
0x96: {  	v30 =	vor.u32 v3, v22;
	s23 =	sor.u32 s6, s23;
	s5 =	sor.u32 $0x2300, s8;
	s8 =	sor.u32 $0x2380, s8;
	v32 =	vld [tilespmem:s15+$0x0];
	[tilespmem:v59+s31+$0x0] =	vst.idx.msk $0xffff, v27  }
0x97: {  	s15 =	sor.u32 s6, s8;
	[tilespmem:v60+s31+$0x0] =	vst.idx.msk $0xffff, v35;
	v27 =	vld [tilespmem:s22+$0x0];
	s22 =	sor.u32 s6, s5;
	s6 =	sor.u32 $0x2000, s16  }
0x98: {  	s4 =	sor.u32 s13, s8;
	s21 =	sor.u32 s13, s5;
	[tilespmem:v28+s31+$0x0] =	vst.idx.msk $0xffff, v26;
	v35 =	vld [tilespmem:s10+$0x180];
	s13 =	sor.u32 s18, s6  }
0x99: {  	v31 =	vor.u32 v13, v18;
	v37 =	vld [tilespmem:s20+$0x0];
	s20 =	sor.u32 s1, s6;
	[smem:$0x7F0] =	sst s13  }
0x9a: {  	s8 =	sor.u32 $0x2080, s16;
	[smem:$0x7F1] =	sst s20  }
0x9b: {  	s6 =	sor.u32 s18, s8;
	[tilespmem:v30+s31+$0x0] =	vst.idx.msk $0xffff, v29  }
0x9c: {  	v61 =	vor.u32 v9, v19;
	s13 =	sor.u32 s1, s8;
	[smem:$0x7F2] =	sst s6  }
0x9d: {  	s20 =	sor.u32 $0x2100, s16;
	[smem:$0x7F3] =	sst s13  }
0x9e: {  	s13 =	sor.u32 s18, s20;
	v38 =	vld [tilespmem:s3+$0x180];
	[tilespmem:v31+s31+$0x0] =	vst.idx.msk $0xffff, v25  }
0x9f: {  	v62 =	vor.u32 v15, v24;
	s20 =	sor.u32 s1, s20;
	v40 =	vld [tilespmem:s12+$0x0];
	[smem:$0x7F4] =	sst s13  }
0xa0: {  	s8 =	sor.u32 $0x2180, s16;
	[smem:$0x7F5] =	sst s20  }
0xa1: {  	s6 =	sor.u32 s1, s8;
	[tilespmem:v61+s31+$0x0] =	vst.idx.msk $0xffff, v32  }
0xa2: {  	v63 =	vor.u32 v4, v21;
	s8 =	sor.u32 s18, s8;
	[dreg:$0x1e] =	wrdreg s6  }
0xa3: {  	v42 =	vld [tilespmem:s9+$0x0];
	[smem:$0x7F6] =	sst s8;
	s9 =	sor.u32 $0x2200, s16  }
0xa4: {  	v29 =	vor.u32 v9, v20;
	[tilespmem:v62+s31+$0x0] =	vst.idx.msk $0xffff, v27;
	s20 =	sor.u32 s1, s9  }
0xa5: {  	s9 =	sor.u32 s18, s9;
	v30 =	vld [tilespmem:s19+$0x0];
	[dreg:$0x1a] =	wrdreg s20  }
0xa6: {  	v39 =	vor.u32 v4, v22;
	s12 =	sor.u32 $0x2280, s16;
	[dreg:$0x1c] =	wrdreg s9  }
0xa7: {  	v41 =	vor.u32 v14, v18;
	s13 =	sor.u32 s1, s12;
	s12 =	sor.u32 s18, s12;
	[tilespmem:v63+s31+$0x0] =	vst.idx.msk $0xffff, v35  }
0xa8: {  	v43 =	vor.u32 v10, v19;
	v28 =	vld [tilespmem:s17+$0x0];
	s17 =	sor.u32 $0x2300, s16;
	[dreg:$0x1b] =	wrdreg s12  }
0xa9: {  	s20 =	sor.u32 s1, s17;
	[tilespmem:v29+s31+$0x0] =	vst.idx.msk $0xffff, v37  }
0xaa: {  	v33 =	vor.u32 v10, v20;
	v36 =	vor.u32 v5, v21;
	s6 =	simm.s32 $0x8000;
	s19 =	sor.u32 $0x2380, s16;
	v32 =	vld [tilespmem:s2+$0x0];
	[dreg:$0x15] =	wrdreg s20  }
0xab: {  	v26 =	vor.u32 v15, v18;
	s5 =	simm.s32 $0x6;
	v25 =	vor.u32 v15, v22;
	s9 =	sor.u32 s18, s19;
	s31 =	simm.s32 $0x60;
	[tilespmem:v39+s6+$0x0] =	vst.idx.msk $0xffff, v38  }
0xac: {  	v31 =	vor.u32 v16, v24;
	v27 =	vor.u32 v15, v20;
	s12 =	sor.u32 s1, s19;
	s20 =	sor.u32 s18, s17;
	s16 =	sor.u32 s31, s25;
	v34 =	vld [tilespmem:s10+$0x200];
	[tilespmem:v41+s6+$0x0] =	vst.idx.msk $0xffff, v40  }
0xad: {  	v35 =	vor.u32 v5, v22;
	v29 =	vor.u32 v16, v23;
	s2 =	sor.u32 s30, s25;
	s17 =	simm.s32 $0x12;
	s18 =	simm.s32 $0x300;
	[tilespmem:v43+s6+$0x0] =	vst.idx.msk $0xffff, v42;
	v24 =	vld [tilespmem:s3+$0x200]  }
.LBB2_4:
0xae: {  	[smem:$0x7E8] =	sst s29  }
0xaf: {  	[smem:$0x7EA] =	sst s9  }
0xb0: {  	[smem:$0x7EB] =	sst s4  }
0xb1: {  	[smem:$0x7E6] =	sst s21  }
0xb2: {  	[smem:$0x7E7] =	sst s13  }
0xb3: {  	[smem:$0x7E9] =	sst s15  }
0xb4: {  	[smem:$0x7EC] =	sst s12;
	s1 =	sadd.s32 $0xFFFFFFFE, s17;
	s30 =	sadd.s32 $0x20, s30  }
0xb5: {  	s0 =	sadd.s32 $0x2, s0;
	s25 =	sadd.s32 $0x100, s25;
	s11 =	sadd.s32 $0x1, s11  }
0xb6: {  	[tilespmem:v31+s6+$0x0] =	vst.idx.msk $0xffff, v30;
	s31 =	simm.s32 $0x8000;
	s16 =	sor.u32 $0x380, s16;
	s13 =	sadd.s32 $0xFFFFFFF0, s30  }
0xb7: {  	v37 =	vld [tilespmem:s24+$0x0];
	s12 =	sand.u32 $0x1C00, s25;
	s21 =	sand.u32 $0x70, s30;
	s19 =	sand.u32 $0x3, s11;
	[tilespmem:v36+s6+$0x0] =	vst.idx.msk $0xffff, v34  }
0xb8: {  	v31 =	vor.u32 v11, v19;
	v23 =	vmov s1;
	s8 =	sand.u32 $0x60, s13;
	s1 =	sor.u32 s13, s25;
	s15 =	sor.u32 $0x2000, s12;
	v30 =	vld [tilespmem:s14+$0x0]  }
0xb9: {  	v38 =	vor.u32 v6, v21;
	v23 =	vshll.u32 v23, $0x7;
	s4 =	sshll.u32 s19, $0x5;
	s9 =	sor.u32 $0x2080, s12;
	s19 =	sor.u32 $0x2100, s12;
	[tilespmem:v29+s6+$0x0] =	vst.idx.msk $0xffff, v28;
	v36 =	vld [tilespmem:s10+$0x280]  }
0xba: {  	v45 =	vmov s17;
	v46 =	vor.u32 v12, v17;
	[smem:$0x7E3] =	sst s1;
	v23 =	vor.u32 v1, v23;
	s24 =	sor.u32 s8, s15;
	[tilespmem:v35+s6+$0x0] =	vst.idx.msk $0xffff, v24;
	s10 =	sor.u32 s8, s12;
	v29 =	vld [tilespmem:s26+$0x0]  }
0xbb: {  	v28 =	vshll.u32 v45, $0x7;
	v39 =	vor.u32 v0, v23;
	[smem:$0x7E4] =	sst s24;
	s24 =	sand.u32 $0x7, s0;
	s6 =	sor.u32 s8, s9;
	[tilespmem:v33+s31+$0x0] =	vst.idx.msk $0xffff, v32;
	v47 =	vld [tilespmem:s10+$0x0]  }
0xbc: {  	v48 =	vor.u32 v6, v22;
	v24 =	vor.u32 v1, v28;
	s14 =	sor.u32 s21, s12;
	s26 =	sor.u32 s21, s15;
	s13 =	sshll.u32 s24, $0x4;
	v32 =	vld [tilespmem:s3+$0x280];
	[tilespmem:v26+s31+$0x0] =	vst.idx.msk $0xffff, v37  }
0xbd: {  	v28 =	vor.u32 v0, v24;
	[smem:$0x7E5] =	sst s26;
	s26 =	sadd.s32 s4, s18;
	s3 =	sor.u32 s21, s9;
	v37 =	vld [tilespmem:s14+$0x0];
	[tilespmem:v31+s31+$0x0] =	vst.idx.msk $0xffff, v30  }
0xbe: {  	s4 =	sadd.s32 s18, s13;
	s9 =	sor.u32 $0x2180, s12;
	s15 =	sor.u32 $0x300, s26;
	v30 =	vld [tilespmem:s7+$0x0];
	[tilespmem:v38+s31+$0x0] =	vst.idx.msk $0xffff, v36  }
0xbf: {  	s18 =	sor.u32 $0x2200, s12;
	[smem:$0x7ED] =	sst s3;
	s3 =	sadd.s32 $0x10, s4;
	v31 =	vor.u32 v11, v20;
	v36 =	vld [tilespmem:s15+$0x0];
	[tilespmem:v46+s31+$0x0] =	vst.idx.msk $0xffff, v29  }
0xc0: {  	v49 =	vor.u32 v7, v21;
	s29 =	sor.u32 s21, s9;
	s26 =	sor.u32 s21, s18;
	s24 =	sor.u32 s8, s9;
	[tilespmem:v39+s31+$0x0] =	vst.idx.msk $0xffff, v47  }
0xc1: {  	v50 =	vor.u32 v13, v17;
	s4 =	smov.u32 s0;
	s0 =	smov.u32 s11;
	s11 =	smov.u32 s20;
	[tilespmem:v48+s31+$0x0] =	vst.idx.msk $0xffff, v32;
	v29 =	vld [tilespmem:s28+$0x0]  }
0xc2: {  	v51 =	vor.u32 v2, v23;
	s9 =	smov.u32 s23;
	s23 =	sor.u32 s8, s18;
	s3 =	sor.u32 $0x300, s3;
	[tilespmem:v28+s31+$0x0] =	vst.idx.msk $0xffff, v37;
	v35 =	vld [tilespmem:s10+$0x80]  }
0xc3: {  	s7 =	sor.u32 s8, s19;
	s15 =	sor.u32 s21, s19;
	s19 =	sor.u32 $0x2280, s12;
	v32 =	vld [tilespmem:s3+$0x0]  }
0xc4: {  	s18 =	rddreg [dreg:$0x1d];
	s3 =	sor.u32 $0x2300, s12;
	v37 =	vld [tilespmem:s14+$0x80];
	s20 =	sor.u32 s21, s19;
	[tilespmem:v31+s31+$0x0] =	vst.idx.msk $0xffff, v30  }
0xc5: {  	s13 =	sor.u32 s21, s3;
	s28 =	smov.u32 s22;
	s22 =	sor.u32 s8, s19;
	v30 =	vld [tilespmem:s18+$0x0];
	[tilespmem:v49+s31+$0x0] =	vst.idx.msk $0xffff, v36  }
0xc6: {  	s19 =	sor.u32 s8, s3;
	s3 =	sld [smem:$0x7E3];
	s18 =	sor.u32 $0x2380, s12;
	v36 =	vld [tilespmem:s16+$0x0];
	[tilespmem:v50+s31+$0x0] =	vst.idx.msk $0xffff, v29  }
0xc7: {  	s12 =	sor.u32 s8, s18;
	s8 =	sor.u32 s21, s18;
	s21 =	rddreg [dreg:$0x11];
	[tilespmem:v51+s31+$0x0] =	vst.idx.msk $0xffff, v35  }
0xc8: {  	v52 =	vor.u32 v7, v22;
	v29 =	vld [tilespmem:s21+$0x0];
	s21 =	sld [smem:$0x7F4]  }
0xc9: {  	v28 =	vor.u32 v2, v24  }
0xca: {  	s16 =	smov.u32 s3  }
0xcb: {  	v31 =	vor.u32 v12, v20;
	s3 =	smov.u32 s14;
	s14 =	smov.u32 s21;
	s21 =	smov.u32 s7  }
0xcc: {  	[smem:$0x7F4] =	sst s21  }
0xcd: {  	[tilespmem:v52+s31+$0x0] =	vst.idx.msk $0xffff, v32;
	s21 =	sld [smem:$0x7F5]  }
0xce: {  	s2 =	sor.u32 $0x380, s2;
	[tilespmem:v28+s31+$0x0] =	vst.idx.msk $0xffff, v37  }
0xcf: {  	v28 =	vld [tilespmem:s2+$0x0]  }
0xd0: {  	s1 =	sor.u32 s30, s25;
	v33 =	vld [tilespmem:s3+$0x100];
	[tilespmem:v31+s31+$0x0] =	vst.idx.msk $0xffff, v30;
	s7 =	smov.u32 s21;
	s21 =	rddreg [dreg:$0x12]  }
0xd1: {  	s2 =	smov.u32 s1;
	s1 =	rddreg [dreg:$0x1e];
	v30 =	vld [tilespmem:s21+$0x0];
	s21 =	smov.u32 s15  }
0xd2: {  	v53 =	vor.u32 v8, v21;
	[smem:$0x7F5] =	sst s21  }
0xd3: {  	s21 =	smov.u32 s1;
	s1 =	sld [smem:$0x7E4]  }
0xd4: {  	[dreg:$0x1d] =	wrdreg s21  }
0xd5: {  	s15 =	smov.u32 s29;
	s21 =	sld [smem:$0x7F0]  }
0xd6: {  	[dreg:$0x1e] =	wrdreg s15  }
0xd7: {  	v35 =	vld [tilespmem:s10+$0x100];
	[tilespmem:v53+s31+$0x0] =	vst.idx.msk $0xffff, v36;
	s15 =	rddreg [dreg:$0x6]  }
0xd8: {  	v36 =	vld [tilespmem:s21+$0x0];
	s21 =	smov.u32 s1;
	s1 =	rddreg [dreg:$0x1a]  }
0xd9: {  	[smem:$0x7F0] =	sst s21  }
0xda: {  	s21 =	smov.u32 s1;
	s1 =	sld [smem:$0x7F6]  }
0xdb: {  	[dreg:$0x12] =	wrdreg s21;
	s21 =	smov.u32 s26  }
0xdc: {  	v54 =	vor.u32 v14, v17;
	[dreg:$0x1a] =	wrdreg s21  }
0xdd: {  	v55 =	vor.u32 v3, v23;
	s21 =	rddreg [dreg:$0x13]  }
0xde: {  	s26 =	smov.u32 s21;
	s21 =	smov.u32 s1;
	s1 =	rddreg [dreg:$0x1c]  }
0xdf: {  	v56 =	vor.u32 v8, v22;
	[dreg:$0x13] =	wrdreg s21  }
0xe0: {  	v57 =	vor.u32 v3, v24;
	s21 =	smov.u32 s24;
	s24 =	rddreg [dreg:$0x10]  }
0xe1: {  	[tilespmem:v54+s31+$0x0] =	vst.idx.msk $0xffff, v29;
	[smem:$0x7F6] =	sst s21  }
0xe2: {  	[tilespmem:v55+s31+$0x0] =	vst.idx.msk $0xffff, v35;
	s21 =	sld [smem:$0x7F1]  }
0xe3: {  	v29 =	vld [tilespmem:s15+$0x0];
	s15 =	smov.u32 s24;
	s24 =	smov.u32 s1;
	s1 =	sld [smem:$0x7E7]  }
0xe4: {  	[tilespmem:v56+s31+$0x0] =	vst.idx.msk $0xffff, v28;
	[dreg:$0x10] =	wrdreg s24  }
0xe5: {  	[tilespmem:v57+s31+$0x0] =	vst.idx.msk $0xffff, v33;
	s24 =	smov.u32 s23;
	s23 =	sld [smem:$0x7E5]  }
0xe6: {  	v28 =	vld [tilespmem:s21+$0x0];
	s21 =	sld [smem:$0x7E6]  }
0xe7: {  	v31 =	vor.u32 v13, v20;
	[dreg:$0x1c] =	wrdreg s24  }
0xe8: {  	s24 =	smov.u32 s23;
	s23 =	rddreg [dreg:$0x15]  }
0xe9: {  	[smem:$0x7F1] =	sst s24;
	s24 =	smov.u32 s21  }
0xea: {  	s21 =	smov.u32 s23;
	s23 =	smov.u32 s13;
	s13 =	rddreg [dreg:$0xb]  }
0xeb: {  	[dreg:$0x15] =	wrdreg s23  }
0xec: {  	v33 =	vld [tilespmem:s3+$0x180];
	[tilespmem:v31+s31+$0x0] =	vst.idx.msk $0xffff, v30;
	s23 =	smov.u32 s9;
	s9 =	rddreg [dreg:$0x1b]  }
0xed: {  	v63 =	vld [tilespmem:s13+$0x0];
	s13 =	smov.u32 s1;
	[dreg:$0x11] =	wrdreg s23  }
0xee: {  	v58 =	vor.u32 v9, v21;
	s23 =	smov.u32 s9;
	[dreg:$0xb] =	wrdreg s13  }
0xef: {  	v59 =	vor.u32 v15, v17;
	s13 =	smov.u32 s20;
	s20 =	smov.u32 s22;
	s22 =	sld [smem:$0x7F2]  }
0xf0: {  	s9 =	smov.u32 s28;
	s28 =	smov.u32 s15;
	s15 =	sld [smem:$0x7E8]  }
0xf1: {  	[dreg:$0x1b] =	wrdreg s20  }
0xf2: {  	[dreg:$0x6] =	wrdreg s9  }
0xf3: {  	v35 =	vld [tilespmem:s10+$0x180];
	[tilespmem:v58+s31+$0x0] =	vst.idx.msk $0xffff, v36;
	s20 =	smov.u32 s19;
	s19 =	sld [smem:$0x7E9];
	s9 =	smov.u32 s12  }
0xf4: {  	v60 =	vor.u32 v4, v23;
	s12 =	sld [smem:$0x7EB];
	v41 =	vld [tilespmem:s22+$0x0];
	[tilespmem:v59+s31+$0x0] =	vst.idx.msk $0xffff, v29;
	s31 =	smov.u32 s6;
	s22 =	smov.u32 s11  }
0xf5: {  	v61 =	vor.u32 v9, v22;
	s11 =	smov.u32 s0;
	s0 =	smov.u32 s4;
	s4 =	rddreg [dreg:$0x4]  }
0xf6: {  	v62 =	vor.u32 v4, v24;
	[smem:$0x7F2] =	sst s31  }
0xf7: {  	s29 =	smov.u32 s19;
	s31 =	sld [smem:$0x7EA];
	s19 =	smov.u32 s12  }
0xf8: {  	s5 =	sadd.s32 $0x2, s5;
	v40 =	vor.u32 v14, v20;
	s6 =	simm.s32 $0x8000;
	[dreg:$0x4] =	wrdreg s19  }
0xf9: {  	v42 =	vor.u32 v10, v21;
	p2 =	slt.u32 s5, $0x3E;
	[tilespmem:v60+s6+$0x0] =	vst.idx.msk $0xffff, v35;
	s19 =	sld [smem:$0x7ED]  }
.Ltmp5:
0xfa: {  	[tilespmem:v61+s6+$0x0] =	vst.idx.msk $0xffff, v28;
	v30 =	vld [tilespmem:s15+$0x0];
	s15 =	smov.u32 s31;
	s31 =	sld [smem:$0x7EC];
	(pc) =	sbr.rel @p2 .LBB2_4-.Ltmp5, $4  }
0xfb: {  	v26 =	vmov v27;
	v27 =	vmov v25;
	v25 =	vor.u32 v15, v24;
	s12 =	smov.u32 s8;
	s8 =	sld [smem:$0x7F3];
	v34 =	vld [tilespmem:s10+$0x200];
	[tilespmem:v62+s6+$0x0] =	vst.idx.msk $0xffff, v33  }
0xfc: {  	v36 =	vor.u32 v5, v23;
	v31 =	vor.u32 v16, v17;
	v17 =	vmovc v19;
	v19 =	vmov v21;
	v28 =	vld [tilespmem:s4+$0x0]  }
0xfd: {  	v29 =	vor.u32 v16, v18;
	v18 =	vmovc v20;
	v20 =	vmov v22;
	v22 =	vmov v24;
	v24 =	vld [tilespmem:s3+$0x200];
	[tilespmem:v40+s6+$0x0] =	vst.idx.msk $0xffff, v63;
	s4 =	smov.u32 s31;
	s31 =	smov.u32 s19  }
0xfe: {  	s17 =	sadd.s32 $0x4, s17;
	s18 =	smov.u32 s25;
	v21 =	vmov v23;
	v35 =	vor.u32 v5, v22;
	v33 =	vor.u32 v10, v20;
	v32 =	vld [tilespmem:s8+$0x0];
	[tilespmem:v42+s6+$0x0] =	vst.idx.msk $0xffff, v41;
	[smem:$0x7F3] =	sst s31  }
0xff: {  	_ =	sdelay $0x3  }
0x100: {  	[tilespmem:v36+s6+$0x0] =	vst.idx.msk $0xffff, v34  }
0x101: {  	v43 =	vor.u32 v6, v21;
	v23 =	vld [tilespmem:s10+$0x280]  }
0x102: {  	s1 =	sadd.s32 $0x1, s11  }
0x103: {  	s1 =	sand.u32 $0x3, s1  }
0x104: {  	s1 =	sshll.u32 s1, $0x5;
	[tilespmem:v35+s6+$0x0] =	vst.idx.msk $0xffff, v24  }
0x105: {  	s0 =	sadd.s32 $0x2, s0;
	v44 =	vor.u32 v6, v22;
	s1 =	sadd.s32 s1, s18;
	v24 =	vld [tilespmem:s3+$0x280]  }
0x106: {  	s0 =	sand.u32 $0x7, s0;
	s1 =	sor.u32 $0x300, s1;
	[tilespmem:v43+s6+$0x0] =	vst.idx.msk $0xffff, v23  }
0x107: {  	v45 =	vor.u32 v7, v21;
	s0 =	sshll.u32 s0, $0x4;
	v23 =	vld [tilespmem:s1+$0x0]  }
0x108: {  	s0 =	sadd.s32 s18, s0  }
0x109: {  	s0 =	sadd.s32 $0x10, s0  }
0x10a: {  	s0 =	sor.u32 $0x300, s0;
	[tilespmem:v44+s6+$0x0] =	vst.idx.msk $0xffff, v24  }
0x10b: {  	v46 =	vor.u32 v7, v22;
	v24 =	vld [tilespmem:s0+$0x0]  }
0x10c: {  	s18 =	sor.u32 $0x380, s16;
	[tilespmem:v45+s6+$0x0] =	vst.idx.msk $0xffff, v23  }
0x10d: {  	v47 =	vor.u32 v8, v21;
	v23 =	vld [tilespmem:s18+$0x0];
	_ =	sdelay $0x2  }
0x10e: {  	s19 =	sor.u32 $0x380, s2;
	[tilespmem:v46+s6+$0x0] =	vst.idx.msk $0xffff, v24  }
0x10f: {  	v48 =	vor.u32 v8, v22;
	v24 =	vld [tilespmem:s19+$0x0]  }
0x110: {  	[tilespmem:v47+s6+$0x0] =	vst.idx.msk $0xffff, v23  }
0x111: {  	s25 =	sld [smem:$0x7F0];
	_ =	sdelay $0x2  }
0x112: {  	v49 =	vor.u32 v9, v21;
	[tilespmem:v48+s6+$0x0] =	vst.idx.msk $0xffff, v24;
	v23 =	vld [tilespmem:s25+$0x0]  }
0x113: {  	s30 =	sld [smem:$0x7F1];
	_ =	sdelay $0x2  }
0x114: {  	v50 =	vor.u32 v9, v22;
	v24 =	vld [tilespmem:s30+$0x0]  }
0x115: {  	[tilespmem:v49+s6+$0x0] =	vst.idx.msk $0xffff, v23  }
0x116: {  	s31 =	sld [smem:$0x7F2];
	_ =	sdelay $0x2  }
0x117: {  	v51 =	vor.u32 v10, v21;
	[tilespmem:v50+s6+$0x0] =	vst.idx.msk $0xffff, v24;
	v23 =	vld [tilespmem:s31+$0x0]  }
0x118: {  	s1 =	sld [smem:$0x7F3];
	_ =	sdelay $0x2  }
0x119: {  	v52 =	vor.u32 v10, v22;
	[tilespmem:v33+s6+$0x0] =	vst.idx.msk $0xffff, v32;
	v24 =	vld [tilespmem:s1+$0x0]  }
0x11a: {  	[tilespmem:v51+s6+$0x0] =	vst.idx.msk $0xffff, v23  }
0x11b: {  	s2 =	sld [smem:$0x7F4]  }
0x11c: {  	v53 =	vld [tilespmem:s14+$0x0];
	v37 =	vor.u32 v11, v19  }
0x11d: {  	v54 =	vor.u32 v11, v20;
	v32 =	vld [tilespmem:s7+$0x0]  }
0x11e: {  	v55 =	vor.u32 v11, v21;
	[tilespmem:v52+s6+$0x0] =	vst.idx.msk $0xffff, v24;
	v23 =	vld [tilespmem:s2+$0x0]  }
0x11f: {  	s3 =	sld [smem:$0x7F5];
	_ =	sdelay $0x1  }
0x120: {  	[tilespmem:v37+s6+$0x0] =	vst.idx.msk $0xffff, v53  }
0x121: {  	v56 =	vor.u32 v11, v22;
	s5 =	rddreg [dreg:$0x13];
	[tilespmem:v54+s6+$0x0] =	vst.idx.msk $0xffff, v32;
	v24 =	vld [tilespmem:s3+$0x0]  }
0x122: {  	s7 =	rddreg [dreg:$0x1d];
	[tilespmem:v55+s6+$0x0] =	vst.idx.msk $0xffff, v23  }
0x123: {  	v38 =	vld [tilespmem:s26+$0x0];
	v39 =	vor.u32 v12, v17;
	s8 =	sld [smem:$0x7F6]  }
0x124: {  	v57 =	vor.u32 v12, v19;
	v36 =	vld [tilespmem:s5+$0x0]  }
0x125: {  	v58 =	vor.u32 v12, v20;
	v33 =	vld [tilespmem:s7+$0x0]  }
0x126: {  	v59 =	vor.u32 v12, v21;
	[tilespmem:v56+s6+$0x0] =	vst.idx.msk $0xffff, v24;
	v23 =	vld [tilespmem:s8+$0x0]  }
0x127: {  	s10 =	rddreg [dreg:$0x1e]  }
0x128: {  	v61 =	vor.u32 v12, v22;
	[tilespmem:v39+s6+$0x0] =	vst.idx.msk $0xffff, v38;
	v60 =	vld [tilespmem:s10+$0x0]  }
0x129: {  	v62 =	vor.u32 v13, v17;
	[tilespmem:v57+s6+$0x0] =	vst.idx.msk $0xffff, v36;
	v38 =	vld [tilespmem:s28+$0x0]  }
0x12a: {  	s11 =	rddreg [dreg:$0x10];
	[tilespmem:v58+s6+$0x0] =	vst.idx.msk $0xffff, v33  }
0x12b: {  	v63 =	vor.u32 v13, v19;
	v32 =	vld [tilespmem:s11+$0x0];
	s14 =	rddreg [dreg:$0x12];
	[tilespmem:v59+s6+$0x0] =	vst.idx.msk $0xffff, v23  }
0x12c: {  	v41 =	vor.u32 v13, v20;
	v40 =	vld [tilespmem:s14+$0x0];
	s16 =	rddreg [dreg:$0x1c]  }
0x12d: {  	v42 =	vor.u32 v13, v21;
	[tilespmem:v61+s6+$0x0] =	vst.idx.msk $0xffff, v60;
	v24 =	vld [tilespmem:s16+$0x0]  }
0x12e: {  	s17 =	rddreg [dreg:$0x1a];
	[tilespmem:v62+s6+$0x0] =	vst.idx.msk $0xffff, v38  }
0x12f: {  	v43 =	vor.u32 v13, v22;
	v35 =	vld [tilespmem:s17+$0x0];
	s18 =	rddreg [dreg:$0x11];
	[tilespmem:v31+s6+$0x0] =	vst.idx.msk $0xffff, v30  }
0x130: {  	v44 =	vor.u32 v14, v17;
	[tilespmem:v63+s6+$0x0] =	vst.idx.msk $0xffff, v32;
	v38 =	vld [tilespmem:s18+$0x0]  }
0x131: {  	[tilespmem:v41+s6+$0x0] =	vst.idx.msk $0xffff, v40  }
0x132: {  	v46 =	vor.u32 v14, v19;
	v45 =	vld [tilespmem:s23+$0x0];
	s19 =	rddreg [dreg:$0xb];
	[tilespmem:v42+s6+$0x0] =	vst.idx.msk $0xffff, v24  }
0x133: {  	v48 =	vor.u32 v14, v20;
	v47 =	vld [tilespmem:s19+$0x0];
	s23 =	rddreg [dreg:$0x1b]  }
0x134: {  	v50 =	vor.u32 v14, v21;
	[tilespmem:v43+s6+$0x0] =	vst.idx.msk $0xffff, v35;
	v49 =	vld [tilespmem:s23+$0x0]  }
0x135: {  	v51 =	vor.u32 v14, v22;
	v35 =	vld [tilespmem:s13+$0x0];
	[tilespmem:v44+s6+$0x0] =	vst.idx.msk $0xffff, v38  }
0x136: {  	v54 =	vld [tilespmem:s24+$0x0];
	s25 =	rddreg [dreg:$0x6];
	[tilespmem:v29+s6+$0x0] =	vst.idx.msk $0xffff, v28  }
0x137: {  	v53 =	vor.u32 v15, v17;
	[tilespmem:v46+s6+$0x0] =	vst.idx.msk $0xffff, v45;
	v52 =	vld [tilespmem:s25+$0x0]  }
0x138: {  	[tilespmem:v48+s6+$0x0] =	vst.idx.msk $0xffff, v47  }
0x139: {  	v55 =	vor.u32 v15, v19;
	v23 =	vld [tilespmem:s22+$0x0];
	[tilespmem:v50+s6+$0x0] =	vst.idx.msk $0xffff, v49  }
0x13a: {  	v56 =	vld [tilespmem:s21+$0x0];
	[tilespmem:v51+s6+$0x0] =	vst.idx.msk $0xffff, v35  }
0x13b: {  	v58 =	vor.u32 v15, v21;
	v57 =	vld [tilespmem:s20+$0x0];
	s26 =	rddreg [dreg:$0x15];
	[tilespmem:v26+s6+$0x0] =	vst.idx.msk $0xffff, v54  }
0x13c: {  	v59 =	vld [tilespmem:s26+$0x0];
	[tilespmem:v53+s6+$0x0] =	vst.idx.msk $0xffff, v52  }
0x13d: {  	v17 =	vor.u32 v16, v17;
	v28 =	vld [tilespmem:s29+$0x0];
	s28 =	rddreg [dreg:$0x4]  }
0x13e: {  	v18 =	vor.u32 v16, v18;
	[tilespmem:v55+s6+$0x0] =	vst.idx.msk $0xffff, v23;
	v26 =	vld [tilespmem:s28+$0x0]  }
0x13f: {  	v19 =	vor.u32 v16, v19;
	[tilespmem:v27+s6+$0x0] =	vst.idx.msk $0xffff, v56;
	v23 =	vld [tilespmem:s15+$0x0]  }
0x140: {  	v61 =	vor.u32 v16, v20;
	v60 =	vld [tilespmem:s4+$0x0];
	[tilespmem:v58+s6+$0x0] =	vst.idx.msk $0xffff, v57  }
0x141: {  	v63 =	vor.u32 v16, v21;
	v62 =	vld [tilespmem:s9+$0x0];
	[tilespmem:v25+s6+$0x0] =	vst.idx.msk $0xffff, v59  }
0x142: {  	[tilespmem:v17+s6+$0x0] =	vst.idx.msk $0xffff, v28  }
0x143: {  	[tilespmem:v18+s6+$0x0] =	vst.idx.msk $0xffff, v26  }
0x144: {  	v25 =	vld [tilespmem:s12+$0x0];
	v17 =	vor.u32 v16, v22;
	[tilespmem:v19+s6+$0x0] =	vst.idx.msk $0xffff, v23  }
0x145: {  	[tilespmem:v61+s6+$0x0] =	vst.idx.msk $0xffff, v60  }
0x146: {  	[tilespmem:v63+s6+$0x0] =	vst.idx.msk $0xffff, v62  }
0x147: {  	s29 =	sld [smem:$0x7EE]  }
0x148: {  	s30 =	rddreg [dreg:$0x2]  }
0x149: {  	s4 =	rddreg [dreg:$0x0];
	[tilespmem:v17+s6+$0x0] =	vst.idx.msk $0xffff, v25  }
0x14a: {  	s31 =	simm.s32 $0x0;
	s5 =	sld [smem:$0x7F8];
	s0 =	sshll.u32 s29, $0xB  }
0x14b: {  	s8 =	simm.s32 $0xC000;
	s7 =	sld [smem:$0x7EF];
	s0 =	sadd.s32 s30, s0  }
0x14c: {  	[hbm4b:s0+s31] =	stream.linear.scatter [tilespmem:s6], [sflag:$0x3], $0x4000, $0x38;
	[tilespmem:$0x10000] =	vst v63  }
.LBB2_6:
0x14d: {  	s0 =	sld [smem:$0x7FC];
	_ =	sdelay $0x2  }
0x14e: {  	s0 =	sadd.s32 s0, s7  }
0x14f: {  	p2 =	sgt.u32 s0, $0x3D0  }
0x150: {  	s2 =	rddreg [dreg:$0x1];
	p3 =	seq.s32 @!p2 s0, $0x3D0  }
.Ltmp6:
0x151: {  	p4 =	por !p3, p2;
	p2 =	por p3, p2;
	(pc) =	sbr.rel @p1 .LBB2_10-.Ltmp6, $4  }
0x152: {  	s1 =	simm.s32 @!p4 $0x0;
	s0 =	sshll.u32 @!p2 s0, $0xA;
	s3 =	simm.s32 @!p2 $0x0  }
0x153: {  	[tilespmem:s1], [sflag:$0x1] =	stream.linear.gather @!p4 [hbm4b:s2+s1], $0x4000, $0x38;
	[tilespmem:$0x10000] =	vst v63  }
0x154: {  	s0 =	sadd.s32 @!p2 s4, s0;
	s1 =	simm.s32 @!p2 $0x2000;
	s2 =	simm.s32 @!p2 $0x7A1400  }
0x155: {  	[tilespmem:s3], [sflag:$0x1] =	stream.strided.gather @!p2 [hbm4b:s0+s1], $0x4000, s2, s1, $0x38;
	[tilespmem:$0x10000] =	vst v63  }
0x156: {  	s0 =	simm.s32 $0x2  }
0x157: {  	_ =	swait.ge [sflag:s0], $0x4000  }
0x158: {  	s14 =	simm.s32 $0x0;
	[sflag:s0] =	ssyncset.done $0x0  }
0x159: {  	s1 =	simm.s32 $0x0;
	[sflag:s0] =	ssyncadd.s32 $0xFFFFC000;
	s0 =	simm.s32 @!p0 $0x4  }
0x15a: {  	s3 =	simm.s32 $0x0;
	s5 =	sand.u32 $0x1C00, s14;
	v17 =	vmov s1;
	_ =	swait.ge @!p0 [sflag:s0], $0x4000  }
0x15b: {  	s4 =	sand.u32 $0x60, s3;
	s23 =	sor.u32 $0x4000, s5;
	v17 =	vshll.u32 v17, $0x7;
	[sflag:s0] =	ssyncset.done @!p0 $0x0  }
0x15c: {  	s2 =	sor.u32 s4, s23;
	v24 =	vor.u32 v1, v17;
	[sflag:s0] =	ssyncadd.s32 @!p0 $0xFFFFC000  }
0x15d: {  	v18 =	vor.u32 v0, v24;
	v17 =	vld [tilespmem:s2+$0x0];
	_ =	sdelay $0x4  }
0x15e: {  	[tilespmem:v18+s8+$0x0] =	vst.idx.msk $0xffff, v17  }
0x15f: {  	v18 =	vor.u32 v2, v24;
	v17 =	vld [tilespmem:s2+$0x80];
	_ =	sdelay $0x4  }
0x160: {  	[tilespmem:v18+s8+$0x0] =	vst.idx.msk $0xffff, v17  }
0x161: {  	s24 =	simm.s32 $0x2;
	v18 =	vor.u32 v3, v24;
	v17 =	vld [tilespmem:s2+$0x100]  }
0x162: {  	s17 =	simm.s32 $0x10;
	v19 =	vmov s24  }
0x163: {  	s10 =	sand.u32 $0x70, s17;
	v19 =	vshll.u32 v19, $0x7  }
0x164: {  	s6 =	sor.u32 s10, s23;
	v23 =	vor.u32 v1, v19  }
0x165: {  	v20 =	vor.u32 v0, v23;
	v19 =	vld [tilespmem:s6+$0x0]  }
0x166: {  	s11 =	simm.s32 $0x100;
	s25 =	simm.s32 $0x4;
	[tilespmem:v18+s8+$0x0] =	vst.idx.msk $0xffff, v17  }
0x167: {  	s16 =	simm.s32 $0x20;
	s1 =	sand.u32 $0x1C00, s11;
	v21 =	vor.u32 v4, v24;
	v17 =	vmov s25;
	v18 =	vld [tilespmem:s2+$0x180]  }
0x168: {  	s7 =	sor.u32 $0x4000, s1;
	s0 =	sand.u32 $0x60, s16;
	v17 =	vshll.u32 v17, $0x7  }
0x169: {  	s24 =	simm.s32 $0xC000;
	s26 =	sor.u32 s0, s7;
	v17 =	vor.u32 v1, v17  }
0x16a: {  	[tilespmem:v20+s24+$0x0] =	vst.idx.msk $0xffff, v19;
	v19 =	vld [tilespmem:s26+$0x0];
	v20 =	vor.u32 v0, v17  }
0x16b: {  	v22 =	vor.u32 v2, v23;
	v25 =	vld [tilespmem:s6+$0x80]  }
0x16c: {  	[tilespmem:v21+s24+$0x0] =	vst.idx.msk $0xffff, v18  }
0x16d: {  	v21 =	vor.u32 v5, v24;
	v18 =	vld [tilespmem:s2+$0x200];
	_ =	sdelay $0x1  }
0x16e: {  	[tilespmem:v20+s24+$0x0] =	vst.idx.msk $0xffff, v19  }
0x16f: {  	[tilespmem:v22+s24+$0x0] =	vst.idx.msk $0xffff, v25;
	v20 =	vor.u32 v2, v17;
	v19 =	vld [tilespmem:s26+$0x80]  }
0x170: {  	s9 =	simm.s32 $0x6;
	v22 =	vor.u32 v3, v23;
	v25 =	vld [tilespmem:s6+$0x100]  }
0x171: {  	s12 =	simm.s32 $0x30;
	[tilespmem:v21+s24+$0x0] =	vst.idx.msk $0xffff, v18;
	v18 =	vmov s9  }
0x172: {  	v21 =	vld [tilespmem:s2+$0x280];
	s2 =	sand.u32 $0x70, s12;
	v18 =	vshll.u32 v18, $0x7  }
0x173: {  	v26 =	vor.u32 v6, v24;
	s19 =	sor.u32 s2, s7;
	v18 =	vor.u32 v1, v18  }
0x174: {  	[tilespmem:v20+s24+$0x0] =	vst.idx.msk $0xffff, v19;
	v27 =	vld [tilespmem:s19+$0x0];
	v28 =	vor.u32 v0, v18  }
0x175: {  	s22 =	sand.u32 $0x3, s14;
	[tilespmem:v22+s24+$0x0] =	vst.idx.msk $0xffff, v25;
	v20 =	vor.u32 v3, v17;
	v19 =	vld [tilespmem:s26+$0x100]  }
0x176: {  	v25 =	vor.u32 v4, v23;
	v22 =	vld [tilespmem:s6+$0x180];
	s7 =	sshll.u32 s22, $0x5  }
0x177: {  	s7 =	sadd.s32 $0x0, s7  }
0x178: {  	s7 =	sor.u32 $0x300, s7;
	[tilespmem:v26+s24+$0x0] =	vst.idx.msk $0xffff, v21  }
0x179: {  	v26 =	vor.u32 v7, v24;
	v21 =	vld [tilespmem:s7+$0x4000];
	[tilespmem:v28+s24+$0x0] =	vst.idx.msk $0xffff, v27  }
0x17a: {  	v27 =	vor.u32 v2, v18;
	[tilespmem:v20+s24+$0x0] =	vst.idx.msk $0xffff, v19;
	v28 =	vld [tilespmem:s19+$0x80]  }
0x17b: {  	[tilespmem:v25+s24+$0x0] =	vst.idx.msk $0xffff, v22;
	v20 =	vor.u32 v4, v17;
	v19 =	vld [tilespmem:s26+$0x180]  }
0x17c: {  	v25 =	vor.u32 v5, v23;
	v22 =	vld [tilespmem:s6+$0x200]  }
0x17d: {  	s3 =	sor.u32 s3, s14  }
0x17e: {  	s3 =	sor.u32 $0x380, s3;
	[tilespmem:v26+s24+$0x0] =	vst.idx.msk $0xffff, v21  }
0x17f: {  	v26 =	vor.u32 v8, v24;
	v21 =	vld [tilespmem:s3+$0x4000];
	[tilespmem:v27+s24+$0x0] =	vst.idx.msk $0xffff, v28  }
0x180: {  	v27 =	vor.u32 v3, v18;
	[tilespmem:v20+s24+$0x0] =	vst.idx.msk $0xffff, v19;
	v28 =	vld [tilespmem:s19+$0x100]  }
0x181: {  	[tilespmem:v25+s24+$0x0] =	vst.idx.msk $0xffff, v22;
	v22 =	vor.u32 v5, v17;
	v20 =	vld [tilespmem:s26+$0x200]  }
0x182: {  	s13 =	simm.s32 $0x8;
	s30 =	simm.s32 $0x40;
	v25 =	vld [tilespmem:s6+$0x280];
	s6 =	simm.s32 $0x200  }
0x183: {  	s15 =	sand.u32 $0x7, s14;
	v29 =	vor.u32 v6, v23;
	s9 =	sor.u32 $0x6000, s5;
	s7 =	sand.u32 $0x1C00, s6;
	v19 =	vmov s13  }
0x184: {  	s23 =	sor.u32 s4, s9;
	s18 =	sor.u32 $0x4000, s7;
	s3 =	sand.u32 $0x60, s30;
	v19 =	vshll.u32 v19, $0x7;
	[tilespmem:v26+s24+$0x0] =	vst.idx.msk $0xffff, v21  }
0x185: {  	s25 =	sshll.u32 s15, $0x4;
	s15 =	sor.u32 s3, s18;
	v19 =	vor.u32 v1, v19;
	v26 =	vor.u32 v9, v24;
	v21 =	vld [tilespmem:s23+$0x0];
	[tilespmem:v27+s24+$0x0] =	vst.idx.msk $0xffff, v28  }
0x186: {  	v30 =	vor.u32 v0, v19;
	[tilespmem:v22+s24+$0x0] =	vst.idx.msk $0xffff, v20;
	v22 =	vld [tilespmem:s15+$0x0]  }
0x187: {  	s13 =	sadd.s32 $0x0, s25;
	v28 =	vor.u32 v4, v18;
	v27 =	vld [tilespmem:s19+$0x180]  }
0x188: {  	s21 =	simm.s32 $0xA;
	[tilespmem:v29+s24+$0x0] =	vst.idx.msk $0xffff, v25;
	v29 =	vor.u32 v6, v17;
	s13 =	sadd.s32 $0x10, s13;
	v25 =	vld [tilespmem:s26+$0x280]  }
0x189: {  	s20 =	sor.u32 $0x6080, s5;
	s22 =	sor.u32 $0x300, s13;
	s13 =	simm.s32 $0x50;
	v20 =	vmov s21  }
0x18a: {  	v32 =	vor.u32 v7, v23;
	v31 =	vld [tilespmem:s22+$0x4000];
	s8 =	sand.u32 $0x70, s13;
	s23 =	simm.s32 $0x1;
	s26 =	sor.u32 s4, s20;
	v20 =	vshll.u32 v20, $0x7;
	[tilespmem:v26+s24+$0x0] =	vst.idx.msk $0xffff, v21  }
0x18b: {  	s18 =	sor.u32 s8, s18;
	s25 =	sand.u32 $0x3, s23;
	v20 =	vor.u32 v1, v20;
	v26 =	vor.u32 v10, v24;
	v21 =	vld [tilespmem:s26+$0x0];
	[tilespmem:v30+s24+$0x0] =	vst.idx.msk $0xffff, v22  }
0x18c: {  	s21 =	sshll.u32 s25, $0x5;
	[tilespmem:v28+s24+$0x0] =	vst.idx.msk $0xffff, v27;
	v27 =	vld [tilespmem:s18+$0x0];
	v28 =	vor.u32 v0, v20  }
0x18d: {  	s21 =	sadd.s32 $0x100, s21;
	[tilespmem:v29+s24+$0x0] =	vst.idx.msk $0xffff, v25;
	v22 =	vld [tilespmem:s15+$0x80];
	v25 =	vor.u32 v2, v19  }
0x18e: {  	s17 =	sor.u32 s17, s14;
	v34 =	vor.u32 v5, v18;
	s21 =	sor.u32 $0x300, s21;
	v33 =	vld [tilespmem:s19+$0x200]  }
0x18f: {  	s14 =	sor.u32 $0x6100, s5;
	s17 =	sor.u32 $0x380, s17;
	[tilespmem:v32+s24+$0x0] =	vst.idx.msk $0xffff, v31;
	v30 =	vor.u32 v7, v17;
	v29 =	vld [tilespmem:s21+$0x4000]  }
0x190: {  	v43 =	vor.u32 v8, v23;
	v31 =	vld [tilespmem:s17+$0x4000];
	s26 =	sor.u32 s4, s14;
	[tilespmem:v26+s24+$0x0] =	vst.idx.msk $0xffff, v21  }
0x191: {  	v26 =	vor.u32 v11, v24;
	v21 =	vld [tilespmem:s26+$0x0];
	[tilespmem:v28+s24+$0x0] =	vst.idx.msk $0xffff, v27  }
0x192: {  	v27 =	vor.u32 v2, v20;
	[tilespmem:v25+s24+$0x0] =	vst.idx.msk $0xffff, v22;
	v28 =	vld [tilespmem:s18+$0x80]  }
0x193: {  	s16 =	sor.u32 s16, s11;
	v25 =	vor.u32 v3, v19;
	[tilespmem:v34+s24+$0x0] =	vst.idx.msk $0xffff, v33;
	v22 =	vld [tilespmem:s15+$0x100]  }
0x194: {  	s16 =	sor.u32 $0x380, s16;
	v44 =	vor.u32 v6, v18;
	s22 =	simm.s32 $0x2;
	[tilespmem:v30+s24+$0x0] =	vst.idx.msk $0xffff, v29;
	v33 =	vld [tilespmem:s19+$0x280]  }
0x195: {  	s9 =	sor.u32 s10, s9;
	s17 =	sand.u32 $0x7, s22;
	[tilespmem:v43+s24+$0x0] =	vst.idx.msk $0xffff, v31;
	v30 =	vor.u32 v8, v17;
	s19 =	sor.u32 $0x6180, s5;
	v29 =	vld [tilespmem:s16+$0x4000]  }
0x196: {  	v45 =	vor.u32 v9, v23;
	s17 =	sshll.u32 s17, $0x4;
	v31 =	vld [tilespmem:s9+$0x0];
	s23 =	sor.u32 s4, s19;
	[tilespmem:v26+s24+$0x0] =	vst.idx.msk $0xffff, v21  }
0x197: {  	s25 =	sadd.s32 $0x100, s17;
	v26 =	vor.u32 v12, v24;
	v21 =	vld [tilespmem:s23+$0x0];
	[tilespmem:v27+s24+$0x0] =	vst.idx.msk $0xffff, v28  }
0x198: {  	s9 =	sadd.s32 $0x10, s25;
	v27 =	vor.u32 v3, v20;
	[tilespmem:v25+s24+$0x0] =	vst.idx.msk $0xffff, v22;
	v28 =	vld [tilespmem:s18+$0x100]  }
0x199: {  	s9 =	sor.u32 $0x300, s9;
	s16 =	sor.u32 $0x6000, s1;
	v25 =	vor.u32 v4, v19;
	[tilespmem:v44+s24+$0x0] =	vst.idx.msk $0xffff, v33;
	v22 =	vld [tilespmem:s15+$0x180]  }
0x19a: {  	v46 =	vor.u32 v7, v18;
	s26 =	sor.u32 s0, s16;
	[tilespmem:v30+s24+$0x0] =	vst.idx.msk $0xffff, v29;
	v33 =	vld [tilespmem:s9+$0x4000]  }
0x19b: {  	s20 =	sor.u32 s10, s20;
	s17 =	sor.u32 $0x6200, s5;
	[tilespmem:v45+s24+$0x0] =	vst.idx.msk $0xffff, v31;
	v30 =	vor.u32 v9, v17;
	v29 =	vld [tilespmem:s26+$0x0]  }
0x19c: {  	s21 =	sor.u32 s4, s17;
	[tilespmem:v26+s24+$0x0] =	vst.idx.msk $0xffff, v21;
	v21 =	vld [tilespmem:s20+$0x0];
	v26 =	vor.u32 v10, v23  }
0x19d: {  	v31 =	vld [tilespmem:s21+$0x0];
	[tilespmem:v27+s24+$0x0] =	vst.idx.msk $0xffff, v28;
	v27 =	vor.u32 v13, v24  }
0x19e: {  	s11 =	sor.u32 s12, s11;
	v47 =	vor.u32 v4, v20;
	[tilespmem:v25+s24+$0x0] =	vst.idx.msk $0xffff, v22;
	v28 =	vld [tilespmem:s18+$0x180]  }
0x19f: {  	s31 =	simm.s32 $0x300;
	s12 =	sor.u32 $0x6100, s1;
	s22 =	sor.u32 $0x380, s11;
	v25 =	vor.u32 v5, v19;
	[tilespmem:v46+s24+$0x0] =	vst.idx.msk $0xffff, v33;
	v22 =	vld [tilespmem:s15+$0x200]  }
0x1a0: {  	v48 =	vor.u32 v8, v18;
	s11 =	sor.u32 s10, s14;
	s16 =	sor.u32 s2, s16;
	s20 =	sor.u32 $0x6080, s1;
	[tilespmem:v30+s24+$0x0] =	vst.idx.msk $0xffff, v29;
	v33 =	vld [tilespmem:s22+$0x4000]  }
0x1a1: {  	s23 =	sor.u32 $0x6280, s5;
	s26 =	sor.u32 s10, s19;
	s25 =	sor.u32 s0, s20;
	[tilespmem:v26+s24+$0x0] =	vst.idx.msk $0xffff, v21  }
0x1a2: {  	s19 =	sor.u32 $0x6300, s5;
	s5 =	sor.u32 $0x6380, s5;
	s9 =	sor.u32 s2, s12;
	v21 =	vld [tilespmem:s25+$0x0];
	v26 =	vor.u32 v10, v17;
	[tilespmem:v27+s24+$0x0] =	vst.idx.msk $0xffff, v31  }
0x1a3: {  	s28 =	sor.u32 s4, s19;
	s19 =	sor.u32 s10, s19;
	s21 =	sor.u32 s4, s23;
	v29 =	vor.u32 v11, v23;
	v30 =	vld [tilespmem:s11+$0x0];
	[tilespmem:v47+s24+$0x0] =	vst.idx.msk $0xffff, v28  }
0x1a4: {  	s14 =	sor.u32 s10, s5;
	s25 =	sor.u32 s10, s17;
	s17 =	sor.u32 $0x6180, s1;
	v27 =	vld [tilespmem:s21+$0x0];
	v28 =	vor.u32 v14, v24;
	[tilespmem:v25+s24+$0x0] =	vst.idx.msk $0xffff, v22  }
0x1a5: {  	v49 =	vor.u32 v5, v20;
	s22 =	sor.u32 s10, s23;
	s23 =	sor.u32 s4, s5;
	s11 =	sor.u32 s2, s17;
	[tilespmem:v48+s24+$0x0] =	vst.idx.msk $0xffff, v33;
	v31 =	vld [tilespmem:s18+$0x200]  }
0x1a6: {  	s10 =	sor.u32 s0, s12;
	s12 =	simm.s32 $0x2;
	v33 =	vld [tilespmem:s16+$0x0];
	[dreg:$0x8] =	wrdreg s11  }
0x1a7: {  	s29 =	sor.u32 s0, s17;
	s17 =	sand.u32 $0x1C00, s31;
	s5 =	sand.u32 $0x3, s12;
	v22 =	vor.u32 v9, v18;
	v25 =	vld [tilespmem:s15+$0x280];
	[tilespmem:v26+s24+$0x0] =	vst.idx.msk $0xffff, v21  }
0x1a8: {  	v50 =	vor.u32 v6, v19;
	s21 =	sor.u32 s2, s20;
	s20 =	simm.s32 $0xE;
	s5 =	sshll.u32 s5, $0x5;
	v26 =	vld [tilespmem:s10+$0x0];
	[tilespmem:v29+s24+$0x0] =	vst.idx.msk $0xffff, v30  }
0x1a9: {  	s5 =	sadd.s32 $0x200, s5;
	s16 =	simm.s32 $0x60;
	s11 =	simm.s32 $0x4;
	v29 =	vld [tilespmem:s26+$0x0];
	[tilespmem:v28+s24+$0x0] =	vst.idx.msk $0xffff, v27  }
0x1aa: {  	s4 =	sand.u32 $0x60, s16;
	v30 =	vor.u32 v11, v17;
	s26 =	sor.u32 $0x4000, s17;
	v28 =	vld [tilespmem:s28+$0x0];
	s28 =	simm.s32 $0x70;
	[tilespmem:v49+s24+$0x0] =	vst.idx.msk $0xffff, v31  }
0x1ab: {  	s15 =	simm.s32 $0xC;
	v27 =	vmov s20;
	v31 =	vor.u32 v12, v23;
	s10 =	sor.u32 s4, s26;
	v32 =	vld [tilespmem:s18+$0x280];
	s12 =	sand.u32 $0x70, s28  }
0x1ac: {  	v35 =	vor.u32 v6, v20;
	v21 =	vmov s15;
	v27 =	vshll.u32 v27, $0x7;
	[tilespmem:v22+s24+$0x0] =	vst.idx.msk $0xffff, v33;
	v51 =	vld [tilespmem:s10+$0x0];
	s18 =	sand.u32 $0x7, s11;
	s20 =	sor.u32 s12, s26;
	s26 =	sor.u32 $0x6200, s1  }
0x1ad: {  	s5 =	sor.u32 $0x300, s5;
	v21 =	vshll.u32 v21, $0x7;
	v22 =	vor.u32 v1, v27;
	[tilespmem:v50+s24+$0x0] =	vst.idx.msk $0xffff, v25;
	s15 =	sshll.u32 s18, $0x4;
	v27 =	vld [tilespmem:s20+$0x0];
	s18 =	sor.u32 s2, s26  }
0x1ae: {  	v21 =	vor.u32 v1, v21;
	v25 =	vld [tilespmem:s5+$0x4000];
	[dreg:$0xf] =	wrdreg s18  }
0x1af: {  	v36 =	vor.u32 v0, v21;
	s5 =	sor.u32 s0, s26;
	s15 =	sadd.s32 $0x200, s15;
	s26 =	sor.u32 $0x6300, s1;
	[tilespmem:v30+s24+$0x0] =	vst.idx.msk $0xffff, v26  }
0x1b0: {  	v52 =	vor.u32 v15, v24;
	s15 =	sadd.s32 $0x10, s15;
	s18 =	sor.u32 $0x6280, s1;
	s1 =	sor.u32 $0x6380, s1;
	[tilespmem:v31+s24+$0x0] =	vst.idx.msk $0xffff, v29;
	v26 =	vld [tilespmem:s29+$0x0]  }
0x1b1: {  	v30 =	vor.u32 v7, v19;
	s15 =	sor.u32 $0x300, s15;
	v29 =	vld [tilespmem:s25+$0x0];
	[tilespmem:v35+s24+$0x0] =	vst.idx.msk $0xffff, v32;
	s29 =	sor.u32 s0, s18;
	s25 =	sor.u32 s2, s18  }
0x1b2: {  	v37 =	vor.u32 v0, v22;
	s18 =	sor.u32 s0, s26;
	s0 =	sor.u32 s0, s1;
	v32 =	vld [tilespmem:s15+$0x4000];
	[dreg:$0x7] =	wrdreg s25  }
0x1b3: {  	[dreg:$0x5] =	wrdreg s0  }
0x1b4: {  	v31 =	vor.u32 v13, v23;
	[tilespmem:v36+s24+$0x0] =	vst.idx.msk $0xffff, v51  }
0x1b5: {  	v53 =	vor.u32 v12, v17;
	s15 =	sor.u32 s30, s6;
	[tilespmem:v52+s24+$0x0] =	vst.idx.msk $0xffff, v28;
	v54 =	vld [tilespmem:s10+$0x80]  }
0x1b6: {  	s15 =	sor.u32 $0x380, s15;
	v28 =	vld [tilespmem:s23+$0x0];
	s23 =	sor.u32 $0x6080, s7;
	[tilespmem:v30+s24+$0x0] =	vst.idx.msk $0xffff, v25  }
0x1b7: {  	[tilespmem:v37+s24+$0x0] =	vst.idx.msk $0xffff, v27;
	v25 =	vld [tilespmem:s15+$0x4000];
	s15 =	sor.u32 s8, s23  }
0x1b8: {  	v55 =	vor.u32 v2, v21;
	s25 =	sor.u32 s2, s1;
	v38 =	vld [tilespmem:s20+$0x80];
	[dreg:$0x14] =	wrdreg s15  }
0x1b9: {  	s1 =	sor.u32 s3, s23;
	s23 =	sor.u32 $0x6100, s7;
	s15 =	sor.u32 $0x6180, s7;
	[tilespmem:v31+s24+$0x0] =	vst.idx.msk $0xffff, v29  }
0x1ba: {  	s30 =	sor.u32 s3, s23;
	[tilespmem:v53+s24+$0x0] =	vst.idx.msk $0xffff, v26;
	s0 =	sor.u32 s8, s15;
	v29 =	vld [tilespmem:s22+$0x0]  }
0x1bb: {  	v56 =	vor.u32 v2, v22;
	s22 =	sor.u32 s8, s23;
	v27 =	vld [tilespmem:s5+$0x0];
	s23 =	sor.u32 s3, s15;
	[dreg:$0xe] =	wrdreg s0  }
0x1bc: {  	v57 =	vor.u32 v7, v20;
	s15 =	sor.u32 $0x6200, s7;
	[dreg:$0x18] =	wrdreg s23  }
0x1bd: {  	s23 =	sor.u32 s3, s15;
	[tilespmem:v55+s24+$0x0] =	vst.idx.msk $0xffff, v54  }
0x1be: {  	s0 =	sor.u32 s8, s15;
	[dreg:$0xc] =	wrdreg s23  }
0x1bf: {  	v24 =	vor.u32 v16, v24;
	s26 =	sor.u32 s2, s26;
	[dreg:$0xd] =	wrdreg s0  }
0x1c0: {  	s2 =	sor.u32 $0x6000, s7;
	s6 =	sor.u32 s13, s6;
	v26 =	vor.u32 v14, v23;
	s15 =	sor.u32 $0x6280, s7;
	v31 =	vld [tilespmem:s10+$0x100];
	[tilespmem:v56+s24+$0x0] =	vst.idx.msk $0xffff, v38  }
0x1c1: {  	s13 =	sor.u32 s3, s2;
	s6 =	sor.u32 $0x380, s6;
	v30 =	vor.u32 v8, v19;
	s23 =	sor.u32 s3, s15;
	[tilespmem:v57+s24+$0x0] =	vst.idx.msk $0xffff, v32;
	v60 =	vld [tilespmem:s20+$0x100]  }
0x1c2: {  	s2 =	sor.u32 s8, s2;
	s0 =	sor.u32 s8, s15;
	v32 =	vld [tilespmem:s6+$0x4000];
	[dreg:$0xa] =	wrdreg s23  }
0x1c3: {  	s5 =	sor.u32 $0x6300, s7;
	s7 =	sor.u32 $0x6380, s7;
	[dreg:$0x9] =	wrdreg s0  }
0x1c4: {  	v58 =	vor.u32 v3, v21;
	s15 =	sor.u32 s3, s7;
	s23 =	sor.u32 s3, s5;
	s3 =	sor.u32 s8, s7;
	[tilespmem:v24+s24+$0x0] =	vst.idx.msk $0xffff, v28  }
0x1c5: {  	v24 =	vld [tilespmem:s21+$0x0];
	s21 =	sor.u32 s8, s5;
	[tilespmem:v26+s24+$0x0] =	vst.idx.msk $0xffff, v29;
	s5 =	sor.u32 $0x6000, s17;
	s8 =	simm.s32 $0xC000  }
0x1c6: {  	v26 =	vld [tilespmem:s19+$0x0];
	[tilespmem:v30+s8+$0x0] =	vst.idx.msk $0xffff, v25;
	s19 =	sor.u32 s4, s5  }
0x1c7: {  	v59 =	vor.u32 v3, v22;
	s0 =	sor.u32 s12, s5;
	[smem:$0x7DB] =	sst s19  }
0x1c8: {  	s24 =	smov.u32 s18;
	s18 =	sor.u32 $0x6080, s17;
	v30 =	vld [tilespmem:s13+$0x0];
	[smem:$0x7DC] =	sst s0  }
0x1c9: {  	s6 =	sor.u32 s4, s18;
	[tilespmem:v58+s8+$0x0] =	vst.idx.msk $0xffff, v31  }
0x1ca: {  	v61 =	vor.u32 v8, v20;
	s13 =	sor.u32 s12, s18;
	[smem:$0x7DD] =	sst s6  }
0x1cb: {  	s7 =	sor.u32 $0x6100, s17;
	[smem:$0x7DE] =	sst s13  }
0x1cc: {  	s18 =	sor.u32 s4, s7;
	[tilespmem:v59+s8+$0x0] =	vst.idx.msk $0xffff, v60  }
0x1cd: {  	s6 =	sor.u32 s12, s7;
	v33 =	vld [tilespmem:s10+$0x180];
	[smem:$0x7DF] =	sst s18  }
0x1ce: {  	s19 =	sor.u32 $0x6180, s17;
	[smem:$0x7E0] =	sst s6  }
0x1cf: {  	v28 =	vor.u32 v10, v18;
	s7 =	sor.u32 s4, s19;
	[tilespmem:v61+s8+$0x0] =	vst.idx.msk $0xffff, v32  }
0x1d0: {  	v25 =	vor.u32 v15, v23;
	s13 =	sor.u32 $0x6200, s17;
	s18 =	sor.u32 s12, s19;
	v35 =	vld [tilespmem:s20+$0x180];
	[dreg:$0x1f] =	wrdreg s7  }
0x1d1: {  	s19 =	sor.u32 s4, s13;
	v39 =	vld [tilespmem:s2+$0x0];
	[smem:$0x7E1] =	sst s18  }
0x1d2: {  	v31 =	vor.u32 v9, v19;
	[dreg:$0x16] =	wrdreg s19;
	s2 =	sor.u32 s12, s13  }
0x1d3: {  	v62 =	vor.u32 v4, v21;
	[dreg:$0x17] =	wrdreg s2  }
0x1d4: {  	s5 =	sor.u32 $0x6280, s17;
	[tilespmem:v28+s8+$0x0] =	vst.idx.msk $0xffff, v24  }
0x1d5: {  	v63 =	vor.u32 v4, v22;
	s6 =	sor.u32 $0x6300, s17;
	[tilespmem:v25+s8+$0x0] =	vst.idx.msk $0xffff, v26;
	v28 =	vld [tilespmem:s9+$0x0];
	s9 =	sor.u32 $0x6380, s17;
	s17 =	sor.u32 s4, s5  }
0x1d6: {  	v40 =	vor.u32 v9, v20;
	v29 =	vld [tilespmem:s14+$0x0];
	[dreg:$0x19] =	wrdreg s17  }
0x1d7: {  	[tilespmem:v31+s8+$0x0] =	vst.idx.msk $0xffff, v30  }
0x1d8: {  	v36 =	vor.u32 v5, v21;
	s7 =	sor.u32 s12, s5;
	s19 =	sor.u32 s4, s6;
	s18 =	sor.u32 s16, s31;
	[tilespmem:v62+s8+$0x0] =	vst.idx.msk $0xffff, v33  }
0x1d9: {  	s16 =	simm.s32 $0x6;
	s2 =	simm.s32 $0x400;
	v25 =	vor.u32 v11, v18;
	v26 =	vor.u32 v11, v20;
	v24 =	vor.u32 v11, v22;
	v32 =	vld [tilespmem:s1+$0x0];
	[smem:$0x7E2] =	sst s18  }
0x1da: {  	s5 =	sor.u32 s12, s6;
	s13 =	sor.u32 s4, s9;
	s4 =	sor.u32 s12, s9;
	v31 =	vor.u32 v13, v17;
	v30 =	vor.u32 v16, v23;
	v34 =	vld [tilespmem:s10+$0x200];
	[tilespmem:v63+s8+$0x0] =	vst.idx.msk $0xffff, v35  }
0x1db: {  	s9 =	simm.s32 $0x3;
	s17 =	simm.s32 $0x90;
	v23 =	vor.u32 v10, v19;
	s18 =	simm.s32 $0x12;
	v35 =	vor.u32 v5, v22;
	[tilespmem:v40+s8+$0x0] =	vst.idx.msk $0xffff, v39;
	v33 =	vld [tilespmem:s20+$0x200]  }
.LBB2_8:
0x1dc: {  	[smem:$0x7CF] =	sst s7  }
0x1dd: {  	[smem:$0x7CE] =	sst s28  }
0x1de: {  	[smem:$0x7D8] =	sst s3  }
0x1df: {  	[smem:$0x7D3] =	sst s21  }
0x1e0: {  	[smem:$0x7D0] =	sst s15  }
0x1e1: {  	[smem:$0x7D6] =	sst s22  }
0x1e2: {  	[smem:$0x7D1] =	sst s13  }
0x1e3: {  	[smem:$0x7D4] =	sst s5  }
0x1e4: {  	[smem:$0x7D9] =	sst s4  }
0x1e5: {  	s1 =	sadd.s32 $0xFFFFFFFE, s18;
	s3 =	sadd.s32 $0xFFFFFFF0, s17;
	s4 =	sand.u32 $0x1C00, s2  }
0x1e6: {  	s28 =	simm.s32 $0xC000;
	s14 =	sand.u32 $0x70, s17;
	s11 =	sadd.s32 $0x2, s11  }
0x1e7: {  	[tilespmem:v31+s8+$0x0] =	vst.idx.msk $0xffff, v27;
	v27 =	vmov s1;
	s8 =	sand.u32 $0x60, s3;
	s6 =	sor.u32 $0x4000, s4;
	s1 =	sor.u32 s3, s2  }
0x1e8: {  	s12 =	sor.u32 $0x6000, s4;
	s13 =	sor.u32 $0x6080, s4;
	s15 =	sor.u32 $0x6100, s4;
	[tilespmem:v36+s28+$0x0] =	vst.idx.msk $0xffff, v34  }
0x1e9: {  	v47 =	vor.u32 v14, v17;
	s21 =	sor.u32 $0x6180, s4;
	s22 =	sor.u32 $0x6200, s4;
	v27 =	vshll.u32 v27, $0x7;
	s0 =	sor.u32 s8, s12;
	v31 =	vld [tilespmem:s29+$0x0]  }
0x1ea: {  	v37 =	vor.u32 v6, v21;
	[tilespmem:v30+s28+$0x0] =	vst.idx.msk $0xffff, v29;
	s5 =	sor.u32 s8, s13;
	v27 =	vor.u32 v1, v27;
	[smem:$0x7D2] =	sst s0;
	v36 =	vld [tilespmem:s10+$0x280];
	s10 =	sor.u32 s8, s6  }
0x1eb: {  	s7 =	sor.u32 s14, s12;
	[smem:$0x7DA] =	sst s5;
	s5 =	sor.u32 s14, s6;
	v48 =	vor.u32 v0, v27;
	[tilespmem:v35+s28+$0x0] =	vst.idx.msk $0xffff, v33;
	v29 =	vld [tilespmem:s10+$0x0]  }
0x1ec: {  	v30 =	vmov s18;
	s12 =	sand.u32 $0x3, s9;
	[smem:$0x7D5] =	sst s7;
	s0 =	smov.u32 s23;
	[tilespmem:v23+s28+$0x0] =	vst.idx.msk $0xffff, v32;
	v35 =	vld [tilespmem:s5+$0x0]  }
0x1ed: {  	v38 =	vor.u32 v11, v19;
	s23 =	sor.u32 s8, s15;
	s3 =	sshll.u32 s12, $0x5;
	s7 =	rddreg [dreg:$0x8];
	v23 =	vshll.u32 v30, $0x7;
	[tilespmem:v25+s28+$0x0] =	vst.idx.msk $0xffff, v28;
	v30 =	vld [tilespmem:s30+$0x0]  }
0x1ee: {  	v49 =	vor.u32 v12, v18;
	s12 =	smov.u32 s25;
	s29 =	sor.u32 s8, s21;
	s3 =	sadd.s32 s3, s31;
	v23 =	vor.u32 v1, v23;
	[tilespmem:v47+s28+$0x0] =	vst.idx.msk $0xffff, v31;
	v31 =	vld [tilespmem:s7+$0x0]  }
0x1ef: {  	s6 =	sor.u32 s14, s13;
	s13 =	sor.u32 $0x300, s3;
	s3 =	sand.u32 $0x7, s11;
	v50 =	vld [tilespmem:s20+$0x280];
	v28 =	vor.u32 v0, v23;
	[tilespmem:v37+s28+$0x0] =	vst.idx.msk $0xffff, v36  }
0x1f0: {  	s20 =	sor.u32 $0x6280, s4;
	s30 =	sor.u32 $0x6300, s4;
	s3 =	sshll.u32 s3, $0x4;
	v34 =	vld [tilespmem:s24+$0x0];
	[tilespmem:v48+s28+$0x0] =	vst.idx.msk $0xffff, v29  }
0x1f1: {  	v52 =	vor.u32 v15, v17;
	s7 =	smov.u32 s19;
	s19 =	sor.u32 s8, s22;
	s24 =	sor.u32 s14, s15;
	v29 =	vld [tilespmem:s13+$0x4000]  }
0x1f2: {  	v40 =	vor.u32 v2, v27;
	s15 =	sor.u32 s14, s21;
	s21 =	sor.u32 s14, s22;
	s22 =	rddreg [dreg:$0x18];
	v39 =	vld [tilespmem:s10+$0x80];
	[tilespmem:v38+s28+$0x0] =	vst.idx.msk $0xffff, v30  }
0x1f3: {  	s25 =	sadd.s32 s31, s3;
	[smem:$0x7D7] =	sst s24;
	s24 =	sor.u32 s8, s20;
	[tilespmem:v49+s28+$0x0] =	vst.idx.msk $0xffff, v31  }
0x1f4: {  	v51 =	vor.u32 v6, v22;
	v38 =	vld [tilespmem:s22+$0x0];
	s22 =	sor.u32 s14, s20;
	s20 =	sadd.s32 $0x10, s25;
	s25 =	rddreg [dreg:$0xf];
	[tilespmem:v28+s28+$0x0] =	vst.idx.msk $0xffff, v35  }
0x1f5: {  	s3 =	smov.u32 s26;
	s26 =	sor.u32 $0x6380, s4;
	v31 =	vld [tilespmem:s25+$0x0];
	s25 =	sld [smem:$0x7DF]  }
0x1f6: {  	s4 =	sor.u32 s8, s26;
	s13 =	sor.u32 s8, s30;
	[tilespmem:v52+s28+$0x0] =	vst.idx.msk $0xffff, v34  }
0x1f7: {  	s8 =	sor.u32 s14, s30;
	s14 =	sor.u32 s14, s26;
	s26 =	rddreg [dreg:$0x5];
	[tilespmem:v40+s28+$0x0] =	vst.idx.msk $0xffff, v39  }
0x1f8: {  	v34 =	vld [tilespmem:s26+$0x0];
	s26 =	smov.u32 s23;
	s30 =	smov.u32 s25;
	s25 =	sld [smem:$0x7E2]  }
0x1f9: {  	v30 =	vor.u32 v7, v21;
	s20 =	sor.u32 $0x300, s20;
	v35 =	vld [tilespmem:s5+$0x80];
	[tilespmem:v51+s28+$0x0] =	vst.idx.msk $0xffff, v50;
	[smem:$0x7DF] =	sst s26;
	s26 =	smov.u32 s1  }
0x1fa: {  	v37 =	vld [tilespmem:s20+$0x4000];
	s20 =	smov.u32 s5;
	[smem:$0x7E2] =	sst s26  }
0x1fb: {  	s23 =	smov.u32 s29;
	s5 =	sor.u32 $0x380, s25;
	s25 =	rddreg [dreg:$0x1f]  }
0x1fc: {  	[dreg:$0x1f] =	wrdreg s23  }
0x1fd: {  	s23 =	sld [smem:$0x7E1]  }
0x1fe: {  	v39 =	vld [tilespmem:s10+$0x100];
	[tilespmem:v30+s28+$0x0] =	vst.idx.msk $0xffff, v29;
	s26 =	smov.u32 s25;
	s25 =	rddreg [dreg:$0xe]  }
0x1ff: {  	v30 =	vld [tilespmem:s5+$0x4000];
	s5 =	smov.u32 s15;
	s15 =	sld [smem:$0x7CE]  }
0x200: {  	[dreg:$0x18] =	wrdreg s26  }
0x201: {  	[smem:$0x7E1] =	sst s5  }
0x202: {  	s26 =	smov.u32 s25;
	s5 =	rddreg [dreg:$0x14]  }
0x203: {  	v53 =	vor.u32 v13, v18;
	[dreg:$0x8] =	wrdreg s26  }
0x204: {  	s26 =	rddreg [dreg:$0x7]  }
0x205: {  	s25 =	smov.u32 s23;
	s23 =	rddreg [dreg:$0xa]  }
0x206: {  	v54 =	vor.u32 v12, v19;
	[dreg:$0xe] =	wrdreg s25  }
0x207: {  	s25 =	rddreg [dreg:$0x19]  }
0x208: {  	[tilespmem:v53+s28+$0x0] =	vst.idx.msk $0xffff, v31;
	s29 =	smov.u32 s23;
	s1 =	sor.u32 s15, s31;
	s23 =	rddreg [dreg:$0xc]  }
0x209: {  	v33 =	vld [tilespmem:s26+$0x0];
	s15 =	smov.u32 s19;
	s26 =	smov.u32 s25;
	s25 =	rddreg [dreg:$0x16]  }
0x20a: {  	[dreg:$0x16] =	wrdreg s15  }
0x20b: {  	v55 =	vor.u32 v7, v22;
	v28 =	vor.u32 v2, v23;
	[tilespmem:v54+s28+$0x0] =	vst.idx.msk $0xffff, v38;
	s15 =	smov.u32 s6;
	s6 =	rddreg [dreg:$0x9]  }
0x20c: {  	v56 =	vor.u32 v3, v27;
	v29 =	vor.u32 v16, v17;
	v17 =	vmovc v19;
	v19 =	vmovc v21;
	v21 =	vmov v27;
	v27 =	vld [tilespmem:s23+$0x0];
	s23 =	smov.u32 s24;
	s24 =	smov.u32 s0;
	s0 =	sld [smem:$0x7D2]  }
0x20d: {  	[dreg:$0xa] =	wrdreg s26  }
0x20e: {  	[dreg:$0x19] =	wrdreg s23  }
0x20f: {  	s26 =	smov.u32 s25;
	s25 =	rddreg [dreg:$0xd]  }
0x210: {  	[tilespmem:v28+s28+$0x0] =	vst.idx.msk $0xffff, v35;
	s23 =	smov.u32 s7;
	s7 =	sld [smem:$0x7DE]  }
0x211: {  	v35 =	vld [tilespmem:s20+$0x100];
	[tilespmem:v55+s28+$0x0] =	vst.idx.msk $0xffff, v37;
	[smem:$0x7DE] =	sst s15  }
0x212: {  	[tilespmem:v29+s28+$0x0] =	vst.idx.msk $0xffff, v34;
	v29 =	vld [tilespmem:s5+$0x0];
	s5 =	smov.u32 s21;
	s21 =	sld [smem:$0x7D0]  }
0x213: {  	[dreg:$0xc] =	wrdreg s26  }
0x214: {  	s26 =	smov.u32 s25;
	s25 =	rddreg [dreg:$0x17]  }
0x215: {  	[dreg:$0x17] =	wrdreg s5  }
0x216: {  	s5 =	sld [smem:$0x7D4]  }
0x217: {  	[dreg:$0xf] =	wrdreg s26  }
0x218: {  	s26 =	smov.u32 s25;
	s25 =	sld [smem:$0x7D1]  }
0x219: {  	v57 =	vor.u32 v14, v18;
	[dreg:$0xd] =	wrdreg s26  }
0x21a: {  	v28 =	vor.u32 v8, v19;
	s19 =	smov.u32 s13;
	s26 =	sld [smem:$0x7DB]  }
0x21b: {  	s13 =	smov.u32 s7;
	s7 =	smov.u32 s6;
	s6 =	sld [smem:$0x7DC]  }
0x21c: {  	v31 =	vor.u32 v3, v23;
	s1 =	sor.u32 $0x380, s1;
	[dreg:$0x14] =	wrdreg s13  }
0x21d: {  	v58 =	vor.u32 v8, v22;
	v32 =	vld [tilespmem:s1+$0x4000];
	[tilespmem:v56+s28+$0x0] =	vst.idx.msk $0xffff, v39;
	[dreg:$0x7] =	wrdreg s7  }
0x21e: {  	v38 =	vld [tilespmem:s10+$0x180];
	[tilespmem:v57+s28+$0x0] =	vst.idx.msk $0xffff, v33;
	s13 =	sld [smem:$0x7CF];
	s7 =	smov.u32 s22;
	s22 =	smov.u32 s21  }
0x21f: {  	[tilespmem:v28+s28+$0x0] =	vst.idx.msk $0xffff, v30;
	v30 =	vld [tilespmem:s3+$0x0];
	s3 =	smov.u32 s0;
	[dreg:$0x5] =	wrdreg s22  }
0x220: {  	v59 =	vor.u32 v10, v20;
	[smem:$0x7DB] =	sst s3  }
0x221: {  	[tilespmem:v31+s28+$0x0] =	vst.idx.msk $0xffff, v35;
	s22 =	sld [smem:$0x7D5]  }
0x222: {  	s21 =	smov.u32 s5;
	v41 =	vld [tilespmem:s20+$0x180];
	[tilespmem:v58+s28+$0x0] =	vst.idx.msk $0xffff, v32;
	s3 =	sld [smem:$0x7D6]  }
0x223: {  	v61 =	vor.u32 v15, v18;
	s5 =	smov.u32 s8;
	s8 =	simm.s32 $0xC000;
	v37 =	vld [tilespmem:s6+$0x0];
	s6 =	sld [smem:$0x7D7]  }
0x224: {  	s15 =	smov.u32 s13;
	s13 =	smov.u32 s4;
	s4 =	sld [smem:$0x7D3]  }
0x225: {  	[tilespmem:v59+s8+$0x0] =	vst.idx.msk $0xffff, v29;
	[dreg:$0x9] =	wrdreg s15  }
0x226: {  	s16 =	sadd.s32 $0x2, s16;
	v60 =	vor.u32 v4, v21;
	s15 =	smov.u32 s25;
	v28 =	vld [tilespmem:s3+$0x0];
	s3 =	sld [smem:$0x7D8]  }
0x227: {  	v42 =	vor.u32 v4, v23;
	v62 =	vld [tilespmem:s26+$0x0];
	s25 =	smov.u32 s22;
	s26 =	smov.u32 s4;
	s4 =	sld [smem:$0x7E0]  }
0x228: {  	p0 =	slt.u32 s16, $0x3E;
	v63 =	vor.u32 v9, v19;
	[smem:$0x7DC] =	sst s25;
	[tilespmem:v61+s8+$0x0] =	vst.idx.msk $0xffff, v30  }
0x229: {  	v43 =	vor.u32 v9, v22;
	s18 =	sadd.s32 $0x4, s18;
	s9 =	sadd.s32 $0x1, s9;
	v29 =	vld [tilespmem:s12+$0x0];
	s12 =	sld [smem:$0x7DA]  }
.Ltmp7:
0x22a: {  	s22 =	smov.u32 s4;
	s4 =	sld [smem:$0x7D9];
	(pc) =	sbr.rel @p0 .LBB2_8-.Ltmp7, $4  }
0x22b: {  	v25 =	vmov v26;
	v26 =	vmov v24;
	v24 =	vor.u32 v11, v23;
	s31 =	smov.u32 s2;
	[tilespmem:v60+s8+$0x0] =	vst.idx.msk $0xffff, v38;
	s25 =	smov.u32 s6;
	s6 =	sld [smem:$0x7DD]  }
0x22c: {  	v36 =	vor.u32 v5, v21;
	s2 =	sadd.s32 $0x100, s2;
	v31 =	vor.u32 v13, v17;
	v34 =	vld [tilespmem:s10+$0x200];
	[smem:$0x7E0] =	sst s25;
	[tilespmem:v42+s8+$0x0] =	vst.idx.msk $0xffff, v41;
	s25 =	smov.u32 s3  }
0x22d: {  	v30 =	vor.u32 v16, v18;
	v18 =	vmovc v20;
	v20 =	vmov v22;
	v22 =	vmov v23;
	[tilespmem:v63+s8+$0x0] =	vst.idx.msk $0xffff, v62;
	v33 =	vld [tilespmem:s20+$0x200];
	s3 =	smov.u32 s4;
	s4 =	smov.u32 s14;
	s14 =	smov.u32 s12  }
0x22e: {  	s28 =	smov.u32 s17;
	s17 =	sadd.s32 $0x20, s17;
	v23 =	vor.u32 v10, v19;
	v35 =	vor.u32 v5, v22;
	[tilespmem:v43+s8+$0x0] =	vst.idx.msk $0xffff, v37;
	v32 =	vld [tilespmem:s6+$0x0];
	[smem:$0x7DD] =	sst s14  }
0x22f: {  	_ =	sdelay $0x3  }
0x230: {  	[tilespmem:v36+s8+$0x0] =	vst.idx.msk $0xffff, v34  }
0x231: {  	v50 =	vor.u32 v6, v21;
	v34 =	vld [tilespmem:s10+$0x280];
	_ =	sdelay $0x1  }
0x232: {  	s2 =	sand.u32 $0x3, s9  }
0x233: {  	s2 =	sshll.u32 s2, $0x5  }
0x234: {  	s2 =	sadd.s32 s2, s31;
	[tilespmem:v35+s8+$0x0] =	vst.idx.msk $0xffff, v33  }
0x235: {  	v51 =	vor.u32 v6, v22;
	s1 =	sadd.s32 $0x2, s11;
	s2 =	sor.u32 $0x300, s2;
	v33 =	vld [tilespmem:s20+$0x280];
	[tilespmem:v50+s8+$0x0] =	vst.idx.msk $0xffff, v34  }
0x236: {  	v52 =	vor.u32 v7, v21;
	s1 =	sand.u32 $0x7, s1;
	v34 =	vld [tilespmem:s2+$0x4000]  }
0x237: {  	s1 =	sshll.u32 s1, $0x4  }
0x238: {  	s1 =	sadd.s32 s31, s1  }
0x239: {  	s1 =	sadd.s32 $0x10, s1  }
0x23a: {  	s1 =	sor.u32 $0x300, s1;
	[tilespmem:v51+s8+$0x0] =	vst.idx.msk $0xffff, v33  }
0x23b: {  	v53 =	vor.u32 v7, v22;
	v33 =	vld [tilespmem:s1+$0x4000];
	[tilespmem:v52+s8+$0x0] =	vst.idx.msk $0xffff, v34  }
0x23c: {  	s0 =	sld [smem:$0x7E2];
	_ =	sdelay $0x2  }
0x23d: {  	s11 =	sor.u32 s28, s31;
	s12 =	sor.u32 $0x380, s0  }
0x23e: {  	v54 =	vor.u32 v8, v21;
	s1 =	sor.u32 $0x380, s11;
	[tilespmem:v53+s8+$0x0] =	vst.idx.msk $0xffff, v33;
	v34 =	vld [tilespmem:s12+$0x4000]  }
0x23f: {  	v55 =	vor.u32 v8, v22;
	v33 =	vld [tilespmem:s1+$0x4000];
	_ =	sdelay $0x3  }
0x240: {  	[tilespmem:v54+s8+$0x0] =	vst.idx.msk $0xffff, v34  }
0x241: {  	s14 =	sld [smem:$0x7DB];
	[tilespmem:v55+s8+$0x0] =	vst.idx.msk $0xffff, v33  }
0x242: {  	s16 =	sld [smem:$0x7DC];
	_ =	sdelay $0x1  }
0x243: {  	v56 =	vor.u32 v9, v21;
	v34 =	vld [tilespmem:s14+$0x0]  }
0x244: {  	v57 =	vor.u32 v9, v22;
	v33 =	vld [tilespmem:s16+$0x0];
	_ =	sdelay $0x3  }
0x245: {  	s17 =	rddreg [dreg:$0x14];
	[tilespmem:v56+s8+$0x0] =	vst.idx.msk $0xffff, v34  }
0x246: {  	s18 =	sld [smem:$0x7DD];
	[tilespmem:v57+s8+$0x0] =	vst.idx.msk $0xffff, v33  }
0x247: {  	s20 =	sld [smem:$0x7DE]  }
0x248: {  	v38 =	vor.u32 v10, v20;
	v37 =	vld [tilespmem:s17+$0x0]  }
0x249: {  	v58 =	vor.u32 v10, v21;
	v34 =	vld [tilespmem:s18+$0x0]  }
0x24a: {  	v59 =	vor.u32 v10, v22;
	v33 =	vld [tilespmem:s20+$0x0];
	_ =	sdelay $0x1  }
0x24b: {  	[tilespmem:v23+s8+$0x0] =	vst.idx.msk $0xffff, v32  }
0x24c: {  	[tilespmem:v38+s8+$0x0] =	vst.idx.msk $0xffff, v37  }
0x24d: {  	[tilespmem:v58+s8+$0x0] =	vst.idx.msk $0xffff, v34  }
0x24e: {  	s28 =	sld [smem:$0x7DF];
	[tilespmem:v59+s8+$0x0] =	vst.idx.msk $0xffff, v33  }
0x24f: {  	v60 =	vor.u32 v11, v19;
	v23 =	vld [tilespmem:s30+$0x0];
	s30 =	sld [smem:$0x7E0]  }
0x250: {  	v37 =	vld [tilespmem:s22+$0x0]  }
0x251: {  	v61 =	vor.u32 v11, v21;
	v34 =	vld [tilespmem:s28+$0x0]  }
0x252: {  	v35 =	vld [tilespmem:s30+$0x0]  }
0x253: {  	[tilespmem:v25+s8+$0x0] =	vst.idx.msk $0xffff, v28  }
0x254: {  	s31 =	rddreg [dreg:$0x8];
	[tilespmem:v60+s8+$0x0] =	vst.idx.msk $0xffff, v23  }
0x255: {  	s1 =	rddreg [dreg:$0x18];
	[tilespmem:v26+s8+$0x0] =	vst.idx.msk $0xffff, v37  }
0x256: {  	v62 =	vor.u32 v12, v18;
	v25 =	vld [tilespmem:s31+$0x0];
	s2 =	rddreg [dreg:$0xe];
	[tilespmem:v61+s8+$0x0] =	vst.idx.msk $0xffff, v34  }
0x257: {  	v63 =	vor.u32 v12, v19;
	v23 =	vld [tilespmem:s1+$0x0];
	s6 =	rddreg [dreg:$0x1f];
	[tilespmem:v24+s8+$0x0] =	vst.idx.msk $0xffff, v35  }
0x258: {  	v40 =	vor.u32 v12, v20;
	v26 =	vld [tilespmem:s2+$0x0];
	s9 =	sld [smem:$0x7E1]  }
0x259: {  	v41 =	vor.u32 v12, v21;
	v33 =	vld [tilespmem:s6+$0x0]  }
0x25a: {  	[tilespmem:v31+s8+$0x0] =	vst.idx.msk $0xffff, v27  }
0x25b: {  	v42 =	vor.u32 v12, v22;
	[tilespmem:v62+s8+$0x0] =	vst.idx.msk $0xffff, v25;
	v24 =	vld [tilespmem:s9+$0x0]  }
0x25c: {  	s10 =	rddreg [dreg:$0xf];
	[tilespmem:v63+s8+$0x0] =	vst.idx.msk $0xffff, v23  }
0x25d: {  	v43 =	vor.u32 v13, v18;
	v25 =	vld [tilespmem:s10+$0x0];
	s11 =	rddreg [dreg:$0xc];
	[tilespmem:v40+s8+$0x0] =	vst.idx.msk $0xffff, v26  }
0x25e: {  	v44 =	vor.u32 v13, v19;
	v23 =	vld [tilespmem:s11+$0x0];
	s12 =	rddreg [dreg:$0xd];
	[tilespmem:v41+s8+$0x0] =	vst.idx.msk $0xffff, v33  }
0x25f: {  	v45 =	vor.u32 v13, v20;
	v26 =	vld [tilespmem:s12+$0x0];
	s14 =	rddreg [dreg:$0x16]  }
0x260: {  	v46 =	vor.u32 v13, v21;
	v33 =	vld [tilespmem:s14+$0x0];
	[tilespmem:v42+s8+$0x0] =	vst.idx.msk $0xffff, v24  }
0x261: {  	s16 =	rddreg [dreg:$0x17];
	[tilespmem:v30+s8+$0x0] =	vst.idx.msk $0xffff, v29  }
0x262: {  	v49 =	vor.u32 v14, v17;
	v48 =	vld [tilespmem:s29+$0x0];
	[tilespmem:v43+s8+$0x0] =	vst.idx.msk $0xffff, v25  }
0x263: {  	v47 =	vor.u32 v13, v22;
	v24 =	vld [tilespmem:s16+$0x0];
	s17 =	rddreg [dreg:$0x7];
	[tilespmem:v44+s8+$0x0] =	vst.idx.msk $0xffff, v23  }
0x264: {  	v50 =	vor.u32 v14, v18;
	v25 =	vld [tilespmem:s17+$0x0];
	s18 =	rddreg [dreg:$0xa];
	[tilespmem:v45+s8+$0x0] =	vst.idx.msk $0xffff, v26  }
0x265: {  	v51 =	vor.u32 v14, v19;
	v23 =	vld [tilespmem:s18+$0x0];
	s20 =	rddreg [dreg:$0x9];
	[tilespmem:v46+s8+$0x0] =	vst.idx.msk $0xffff, v33  }
0x266: {  	v52 =	vor.u32 v14, v20;
	v26 =	vld [tilespmem:s20+$0x0];
	s22 =	rddreg [dreg:$0x19]  }
0x267: {  	v53 =	vor.u32 v14, v21;
	[tilespmem:v49+s8+$0x0] =	vst.idx.msk $0xffff, v48;
	v33 =	vld [tilespmem:s22+$0x0]  }
0x268: {  	v55 =	vor.u32 v15, v17;
	v29 =	vld [tilespmem:s24+$0x0];
	[tilespmem:v47+s8+$0x0] =	vst.idx.msk $0xffff, v24  }
0x269: {  	v54 =	vor.u32 v14, v22;
	v24 =	vld [tilespmem:s7+$0x0];
	[tilespmem:v50+s8+$0x0] =	vst.idx.msk $0xffff, v25  }
0x26a: {  	[tilespmem:v51+s8+$0x0] =	vst.idx.msk $0xffff, v23  }
0x26b: {  	v56 =	vor.u32 v15, v18;
	v25 =	vld [tilespmem:s26+$0x0];
	[tilespmem:v52+s8+$0x0] =	vst.idx.msk $0xffff, v26  }
0x26c: {  	v57 =	vor.u32 v15, v19;
	v23 =	vld [tilespmem:s23+$0x0];
	[tilespmem:v53+s8+$0x0] =	vst.idx.msk $0xffff, v33  }
0x26d: {  	v58 =	vor.u32 v15, v20;
	v26 =	vld [tilespmem:s21+$0x0];
	[tilespmem:v55+s8+$0x0] =	vst.idx.msk $0xffff, v29  }
0x26e: {  	v59 =	vor.u32 v15, v21;
	v33 =	vld [tilespmem:s19+$0x0];
	[tilespmem:v54+s8+$0x0] =	vst.idx.msk $0xffff, v24  }
0x26f: {  	v60 =	vor.u32 v15, v22;
	v24 =	vld [tilespmem:s5+$0x0];
	s28 =	rddreg [dreg:$0x5]  }
0x270: {  	v17 =	vor.u32 v16, v17;
	[tilespmem:v56+s8+$0x0] =	vst.idx.msk $0xffff, v25;
	v29 =	vld [tilespmem:s28+$0x0]  }
0x271: {  	v18 =	vor.u32 v16, v18;
	v25 =	vld [tilespmem:s25+$0x0];
	[tilespmem:v57+s8+$0x0] =	vst.idx.msk $0xffff, v23  }
0x272: {  	v19 =	vor.u32 v16, v19;
	v23 =	vld [tilespmem:s15+$0x0];
	[tilespmem:v58+s8+$0x0] =	vst.idx.msk $0xffff, v26  }
0x273: {  	v61 =	vor.u32 v16, v20;
	v26 =	vld [tilespmem:s3+$0x0];
	[tilespmem:v59+s8+$0x0] =	vst.idx.msk $0xffff, v33  }
0x274: {  	v63 =	vor.u32 v16, v21;
	v62 =	vld [tilespmem:s13+$0x0];
	[tilespmem:v60+s8+$0x0] =	vst.idx.msk $0xffff, v24  }
0x275: {  	[tilespmem:v17+s8+$0x0] =	vst.idx.msk $0xffff, v29  }
0x276: {  	[tilespmem:v18+s8+$0x0] =	vst.idx.msk $0xffff, v25  }
0x277: {  	v24 =	vld [tilespmem:s4+$0x0];
	v17 =	vor.u32 v16, v22;
	[tilespmem:v19+s8+$0x0] =	vst.idx.msk $0xffff, v23  }
0x278: {  	[tilespmem:v61+s8+$0x0] =	vst.idx.msk $0xffff, v26  }
0x279: {  	[tilespmem:v63+s8+$0x0] =	vst.idx.msk $0xffff, v62  }
0x27a: {  	s29 =	sld [smem:$0x7F7]  }
.Ltmp8:
0x27b: {  	_ = 	snop;
	(pc) =	sbr.rel .LBB2_10-.Ltmp8, $4  }
0x27c: {  	s30 =	rddreg [dreg:$0x2];
	[tilespmem:v17+s8+$0x0] =	vst.idx.msk $0xffff, v24  }
0x27d: {  	s31 =	simm.s32 $0x0;
	s5 =	sld [smem:$0x7F8];
	s0 =	sshll.u32 s29, $0xB  }
0x27e: {  	s6 =	simm.s32 $0x8000;
	s4 =	rddreg [dreg:$0x0];
	s0 =	sadd.s32 s30, s0  }
0x27f: {  	[hbm4b:s0+s31] =	stream.linear.scatter [tilespmem:s8], [sflag:$0x4], $0x4000, $0x38;
	[tilespmem:$0x10000] =	vst v63  }
.LBB2_12:
0x280: {  	_ =	sfence.sel $0x180000  }
0x281: {  	[bflag:$0x0] =	sbarrier.arrive $0xFFFF  }
0x282: {  	_ =	strace $0x90000047  }
0x283: {  	s0 =	stileid.u32;
	[bflag:$0x2] =	sbarrier.arrive $0xFFFF  }
0x284: {  	p0 =	sne.s32 s0, $0x0;
	s0 =	rddreg [dreg:$0x3]  }
0x285: {  	s0 =	sadd.s32 @!p0 $0x100000, s0  }
0x286: {  	[sflag:s0] =	ssyncadd.tile.s32 @!p0 $0x1;
	_ =	shalt  }
.Lfunc_end2:
_tile_overlayer_lowered:
.L_overlay_start_2:
0x287: {  	(tag) =	ssettag $0x2  }
0x288: {  	s0 =	rddreg [dreg:$0x0];
	s2 =	stileid.u32  }
0x289: {  	s1 =	rddreg [dreg:$0x1];
	p0 =	sne.s32 s2, $0x0  }
0x28a: {  	s3 =	rddreg [dreg:$0x2];
	[bflag:$0x3] =	sbarrier.arrive $0xFFFF;
	s2 =	simm.s32 @!p0 $0x1C05  }
0x28b: {  	[timem:s3], [sflag:s2] =	dma.local @!p0 [hbm:s0], s1  }
0x28c: {  	s0 =	simm.s32 @!p0 $0x5  }
0x28d: {  	_ =	swait.ge @!p0 [sflag:s0], s1  }
0x28e: {  	s1 =	ssub.s32 @!p0 $0x0, s1;
	[sflag:s0] =	ssyncset.done @!p0 $0x0  }
0x28f: {  	[sflag:s0] =	ssyncadd.s32 @!p0 s1  }
0x290: {  	[bflag:$0x3] =	sbarrier.arrive $0xFFFF  }
0x291: {  	_ =	shalt  }

</sc_bundles>
